<compile_context>
chip_gen: v7x
topology: tpu7x:2x2x1
jax: 0.10.2.dev20260603
libtpu: 0.0.44.dev20260713+nightly
codegen_flags: <defaults>
</compile_context>

<pallas_src>
import functools

import jax
import jax.numpy as jnp
from jax import lax
from jax.experimental import pallas as pl
from jax.experimental.pallas import tpu as pltpu
from jax.experimental.pallas import tpu_sc as plsc

BT = 64
CH = 512
NBUF = 4


def _router_body(x_ref, gw_ref, p_ref, be_ref, sl_ref, nx_ref, r0_ref, nr_ref,
                 oh_ref, cs_ref):
    T = x_ref.shape[0]
    E = gw_ref.shape[0]
    NBLK = be_ref.shape[0]
    logits = lax.dot_general(
        x_ref[...], gw_ref[...], (((1,), (1,)), ((), ())),
        preferred_element_type=jnp.float32)
    m = jnp.max(logits, axis=1, keepdims=True)
    col = lax.broadcasted_iota(jnp.int32, logits.shape, 1)
    assign = jnp.min(jnp.where(logits >= m, col, E), axis=1, keepdims=True)
    oh_ref[...] = (col == assign).astype(jnp.float32)

    r_i = lax.broadcasted_iota(jnp.int32, (CH, CH), 0)
    c_i = lax.broadcasted_iota(jnp.int32, (CH, CH), 1)
    tril = (c_i < r_i).astype(jnp.float32)

    def chunk(i, tot):
        oh = oh_ref[pl.ds(i * CH, CH), :]
        cs_ref[pl.ds(i * CH, CH), :] = lax.dot_general(
            tril, oh, (((1,), (0,)), ((), ())),
            preferred_element_type=jnp.float32) + tot
        return tot + jnp.sum(oh, axis=0, keepdims=True)

    counts = lax.fori_loop(0, T // CH, chunk, jnp.zeros((1, E), jnp.float32))

    blocks = jnp.floor((counts + (BT - 1)) * (1.0 / BT))
    e_r = lax.broadcasted_iota(jnp.int32, (E, E), 0)
    e_c = lax.broadcasted_iota(jnp.int32, (E, E), 1)
    incl = (e_r <= e_c).astype(jnp.float32)
    cumb = lax.dot_general(blocks, incl, (((1,), (0,)), ((), ())),
                           preferred_element_type=jnp.float32)
    pad_start = (cumb - blocks) * BT

    oh = oh_ref[...]
    rank = jnp.sum(cs_ref[...] * oh, axis=1, keepdims=True)
    p_ref[...] = (rank + jnp.sum(oh * pad_start, axis=1,
                                 keepdims=True)).astype(jnp.int32)

    nr_ref[...] = cumb[:, E - 1:E].astype(jnp.int32)

    bb = lax.broadcasted_iota(jnp.int32, (NBLK, E), 0).astype(jnp.float32)
    be = jnp.sum((cumb <= bb).astype(jnp.int32), axis=1, keepdims=True)
    be = jnp.minimum(be, E - 1)
    be_ref[...] = be

    bef = be.astype(jnp.float32)
    n_r = lax.broadcasted_iota(jnp.int32, (NBLK, NBLK), 0)
    n_c = lax.broadcasted_iota(jnp.int32, (NBLK, NBLK), 1)
    first = lax.broadcasted_iota(jnp.int32, (NBLK, 1), 0) == 0
    chg = jnp.concatenate(
        [jnp.zeros((1, 1), jnp.float32),
         (bef[1:] != bef[:-1]).astype(jnp.float32)], axis=0)
    fb = jnp.where(first, 1.0, chg)
    low = (n_c <= n_r).astype(jnp.float32)
    rid = lax.dot_general(low, chg, (((1,), (0,)), ((), ())),
                          preferred_element_type=jnp.float32)
    sl_ref[...] = (rid - NBUF * jnp.floor(rid * (1.0 / NBUF))).astype(jnp.int32)

    eye = (n_r == n_c).astype(jnp.float32)
    rid_row = lax.dot_general(rid, eye, (((0,), (0,)), ((), ())),
                              preferred_element_type=jnp.float32)
    fb_row = lax.dot_general(fb, eye, (((0,), (0,)), ((), ())),
                             preferred_element_type=jnp.float32)
    m1 = fb_row * (rid_row == rid + (NBUF - 1)).astype(jnp.float32)
    nx = lax.dot_general(m1, bef, (((1,), (0,)), ((), ())),
                         preferred_element_type=jnp.float32)
    has = lax.dot_general(m1, jnp.ones((NBLK, 1), jnp.float32),
                          (((1,), (0,)), ((), ())),
                          preferred_element_type=jnp.float32)
    nx_ref[...] = jnp.where(has > 0, nx, -1.0).astype(jnp.int32)

    r_i = lax.broadcasted_iota(jnp.int32, (8, NBLK), 0).astype(jnp.float32)
    m2 = fb_row * (rid_row == r_i).astype(jnp.float32)
    r0 = lax.dot_general(m2, bef, (((1,), (0,)), ((), ())),
                         preferred_element_type=jnp.float32)
    has2 = lax.dot_general(m2, jnp.ones((NBLK, 1), jnp.float32),
                           (((1,), (0,)), ((), ())),
                           preferred_element_type=jnp.float32)
    r0_ref[...] = jnp.where(has2 > 0, r0, -1.0).astype(jnp.int32)


def _mlp_body(be_ref, sl_ref, nx_ref, r0_ref, nr_ref, xs_ref,
              g_hbm, u_hbm, d_hbm, ys_ref, wg, wu, wd, sg, su, sd):
    b = pl.program_id(0)
    e = be_ref[b]
    s = sl_ref[b]

    def start(ee, ss):
        pltpu.make_async_copy(g_hbm.at[ee], wg.at[ss], sg.at[ss]).start()
        pltpu.make_async_copy(u_hbm.at[ee], wu.at[ss], su.at[ss]).start()
        pltpu.make_async_copy(d_hbm.at[ee], wd.at[ss], sd.at[ss]).start()

    @pl.when(b == 0)
    def _():
        for r in range(NBUF - 1):
            def _issue(r=r):
                start(r0_ref[r], r)
            pl.when(r0_ref[r] >= 0)(_issue)

    changed = jnp.logical_or(b == 0, be_ref[jnp.maximum(b - 1, 0)] != e)
    nx = nx_ref[b]

    @pl.when(jnp.logical_and(changed, nx >= 0))
    def _():
        sn = jnp.where(s == 0, NBUF - 1, s - 1)
        start(nx, sn)

    @pl.when(changed)
    def _():
        pltpu.make_async_copy(g_hbm.at[e], wg.at[s], sg.at[s]).wait()
        pltpu.make_async_copy(u_hbm.at[e], wu.at[s], su.at[s]).wait()
        pltpu.make_async_copy(d_hbm.at[e], wd.at[s], sd.at[s]).wait()

    @pl.when(b < nr_ref[0])
    def _():
        x = xs_ref[...]
        g = lax.dot_general(x, wg[s], (((1,), (1,)), ((), ())),
                            preferred_element_type=jnp.float32)
        u = lax.dot_general(x, wu[s], (((1,), (1,)), ((), ())),
                            preferred_element_type=jnp.float32)
        h = (g * jax.nn.sigmoid(g)) * u
        ys_ref[...] = lax.dot_general(h, wd[s], (((1,), (1,)), ((), ())),
                                      preferred_element_type=jnp.float32)


def kernel(hidden_states, gate_w, gate_proj, up_proj, down_proj):
    Bt, St, H = hidden_states.shape
    E, I, _ = gate_proj.shape
    T = Bt * St
    NBLK = T // BT + E
    NPAD = NBLK * BT

    info = plsc.get_sparse_core_info()
    NC = info.num_cores
    NW = NC * info.num_subcores
    RPW = T // NW

    x2d = hidden_states.reshape(T, H)

    p_out, be_out, sl_out, nx_out, r0_out, nr_out = pl.pallas_call(
        _router_body,
        out_shape=[jax.ShapeDtypeStruct((T, 1), jnp.int32),
                   jax.ShapeDtypeStruct((NBLK, 1), jnp.int32),
                   jax.ShapeDtypeStruct((NBLK, 1), jnp.int32),
                   jax.ShapeDtypeStruct((NBLK, 1), jnp.int32),
                   jax.ShapeDtypeStruct((8, 1), jnp.int32),
                   jax.ShapeDtypeStruct((1, 1), jnp.int32)],
        scratch_shapes=[pltpu.VMEM((T, E), jnp.float32),
                        pltpu.VMEM((T, E), jnp.float32)],
    )(x2d, gate_w)
    block_expert = be_out[:, 0]
    block_slot = sl_out[:, 0]
    block_next = nx_out[:, 0]
    run0 = r0_out[:, 0]
    nreal = nr_out[:, 0]
    p2 = p_out.reshape(NW, 4, RPW // 4)

    mesh = plsc.VectorSubcoreMesh(core_axis_name="c", subcore_axis_name="s")

    NCH = 4
    CK = RPW // NCH

    @functools.partial(
        pl.kernel, mesh=mesh,
        out_type=jax.ShapeDtypeStruct((NPAD, H), jnp.float32),
        scratch_types=[pltpu.VMEM((NCH, CK), jnp.int32),
                       pltpu.VMEM((RPW, H), jnp.float32),
                       pltpu.SemaphoreType.DMA((NCH,)),
                       pltpu.SemaphoreType.DMA((NCH,))])
    def _dispatch(x_hbm, idx_hbm, xs_hbm, idx_v, rows_v, si, so):
        wid = lax.axis_index("s") * NC + lax.axis_index("c")
        pltpu.sync_copy(idx_hbm.at[wid], idx_v)
        ins = [pltpu.async_copy(x_hbm.at[pl.ds(wid * RPW + j * CK, CK)],
                                rows_v.at[pl.ds(j * CK, CK)], si.at[j])
               for j in range(NCH)]
        outs = []
        for j in range(NCH):
            ins[j].wait()
            outs.append(pltpu.async_copy(rows_v.at[pl.ds(j * CK, CK)],
                                         xs_hbm.at[idx_v.at[j]], so.at[j]))
        for o in outs:
            o.wait()

    xs = _dispatch(x2d, p2)

    grid_spec = pltpu.PrefetchScalarGridSpec(
        num_scalar_prefetch=5,
        grid=(NBLK,),
        in_specs=[
            pl.BlockSpec((BT, H), lambda b, *_: (b, 0)),
            pl.BlockSpec(memory_space=pltpu.MemorySpace.HBM),
            pl.BlockSpec(memory_space=pltpu.MemorySpace.HBM),
            pl.BlockSpec(memory_space=pltpu.MemorySpace.HBM),
        ],
        out_specs=pl.BlockSpec((BT, H), lambda b, *_: (b, 0)),
        scratch_shapes=[pltpu.VMEM((NBUF, I, H), jnp.float32),
                        pltpu.VMEM((NBUF, I, H), jnp.float32),
                        pltpu.VMEM((NBUF, H, I), jnp.float32),
                        pltpu.SemaphoreType.DMA((NBUF,)),
                        pltpu.SemaphoreType.DMA((NBUF,)),
                        pltpu.SemaphoreType.DMA((NBUF,))],
    )
    ys = pl.pallas_call(
        _mlp_body,
        grid_spec=grid_spec,
        out_shape=jax.ShapeDtypeStruct((NPAD, H), jnp.float32),
    )(block_expert, block_slot, block_next, run0, nreal,
      xs, gate_proj, up_proj, down_proj)

    @functools.partial(
        pl.kernel, mesh=mesh,
        out_type=jax.ShapeDtypeStruct((T, H), jnp.float32),
        scratch_types=[pltpu.VMEM((NCH, CK), jnp.int32),
                       pltpu.VMEM((RPW, H), jnp.float32),
                       pltpu.SemaphoreType.DMA((NCH,)),
                       pltpu.SemaphoreType.DMA((NCH,))])
    def _combine(ys_hbm, idx_hbm, out_hbm, idx_v, rows_v, si, so):
        wid = lax.axis_index("s") * NC + lax.axis_index("c")
        pltpu.sync_copy(idx_hbm.at[wid], idx_v)
        ins = [pltpu.async_copy(ys_hbm.at[idx_v.at[j]],
                                rows_v.at[pl.ds(j * CK, CK)], si.at[j])
               for j in range(NCH)]
        outs = []
        for j in range(NCH):
            ins[j].wait()
            outs.append(pltpu.async_copy(
                rows_v.at[pl.ds(j * CK, CK)],
                out_hbm.at[pl.ds(wid * RPW + j * CK, CK)], so.at[j]))
        for o in outs:
            o.wait()

    out = _combine(ys, p2)
    return out.reshape(Bt, St, H)

# --- scband reference (transcript-rebuilt; emitter-appended) ---
"""Pipeline reference for scband-qwen3-moe-sparse-moe-block-50268297232748 (READ-ONLY COPY).

The authoritative reference and input builder live on the scoring server;
editing this copy changes nothing except your own understanding.
"""

import jax, jax.numpy as jnp
import numpy as np

HIDDEN = 768
INTER = 384
E = 64
TOP_K = 1
B, S = 1, 2048


def setup_inputs(seed: int = 0) -> dict:
    key = jax.random.key(seed)
    ks = jax.random.split(key, 5)
    hidden_states = jax.random.normal(ks[0], (B, S, HIDDEN), dtype=jnp.float32)
    gate_w = jax.random.normal(ks[1], (E, HIDDEN), dtype=jnp.float32) * 0.02
    gate_proj = jax.random.normal(ks[2], (E, INTER, HIDDEN), dtype=jnp.float32) * 0.02
    up_proj = jax.random.normal(ks[3], (E, INTER, HIDDEN), dtype=jnp.float32) * 0.02
    down_proj = jax.random.normal(ks[4], (E, HIDDEN, INTER), dtype=jnp.float32) * 0.02
    return {
        "hidden_states": hidden_states,
        "gate_w": gate_w,
        "gate_proj": gate_proj,
        "up_proj": up_proj,
        "down_proj": down_proj,
    }


def _moe(hidden_states, gate_w, gate_proj, up_proj, down_proj):
    Bt, St, D = hidden_states.shape
    x = hidden_states.reshape(-1, D)
    T = x.shape[0]
    # router (gate linear, no bias)
    router_logits = x @ gate_w.T
    routing_weights = jax.nn.softmax(router_logits.astype(jnp.float32), axis=1)
    topw, topi = jax.lax.top_k(routing_weights, TOP_K)
    # norm_topk_prob = True
    topw = topw / jnp.sum(topw, axis=-1, keepdims=True)
    topw = topw.astype(x.dtype)
    # combine weights per (token, expert); zero for non-selected experts so the
    # dense-over-experts evaluation below is mathematically identical to the
    # torch routed loop with index_add_.
    combine = jnp.zeros((T, E), dtype=x.dtype).at[jnp.arange(T)[:, None], topi].add(topw)
    g = jnp.einsum('td,eid->tei', x, gate_proj)
    u = jnp.einsum('td,eid->tei', x, up_proj)
    h = jax.nn.silu(g) * u
    h = h * combine[:, :, None]
    out = jnp.einsum('tei,edi->td', h, down_proj)
    return out.reshape(Bt, St, D)


def reference(hidden_states, gate_w, gate_proj, up_proj, down_proj):
    return _moe(hidden_states, gate_w, gate_proj, up_proj, down_proj)

if __name__ == "__main__":
    import jax
    _d = setup_inputs()
    print(jax.jit(kernel)(*tuple(_d.values())))

</pallas_src>

<mosaic_0001>
#map = affine_map<(d0, d1) -> (0, 0)>
#map1 = affine_map<(d0, d1) -> (0, 0, 0)>
module attributes {stable_mosaic.version = 14 : i64} {
  func.func @_dispatch(%arg0: i32, %arg1: i32, %arg2: memref<2048x768xf32, #tpu.memory_space<hbm>>, %arg3: memref<32x4x16xi32, #tpu.memory_space<hbm>>, %arg4: memref<6144x768xf32, #tpu.memory_space<hbm>>, %arg5: memref<4x16xi32, #tpu.memory_space<vmem>>, %arg6: memref<64x768xf32, #tpu.memory_space<vmem>>, %arg7: memref<4x!tpu.dma_semaphore, #tpu.memory_space<semaphore_mem>>, %arg8: memref<4x!tpu.dma_semaphore, #tpu.memory_space<semaphore_mem>>) attributes {dimension_semantics = [#tpu.dimension_semantics<core_parallel>, #tpu.dimension_semantics<subcore_parallel>], iteration_bounds = array<i64: 2, 16>, scalar_prefetch = 0 : i64, scratch_operands = 4 : i64, tpu.core_type = #tpu.core_type<sc_vector_subcore>, window_params = [{transform_indices = #map}, {transform_indices = #map1}, {transform_indices = #map}]} {
    %mul3A = arith.constant 2 : i32
    %mul3A_0 = arith.muli %arg1, %mul3A : i32
    %add3A = arith.addi %mul3A_0, %arg0 : i32
    "tpu.region"() ({
      %run_scoped3A = tpu.sem_alloc : memref<!tpu.dma_semaphore, #tpu.memory_space<semaphore_mem>>
      %dma_start3A_223 = arith.constant 0 : i32
      %dma_start3A_224 = arith.constant 0 : i32
      %dma_start3A_225 = tpu.memref_slice %arg3[%add3A, %dma_start3A_223, %dma_start3A_224] : memref<32x4x16xi32, #tpu.memory_space<hbm>> -> memref<1x4x16xi32, #tpu.memory_space<hbm>>
      %dma_start3A_226 = tpu.memref_squeeze %dma_start3A_225 : memref<1x4x16xi32, #tpu.memory_space<hbm>> -> memref<4x16xi32, #tpu.memory_space<hbm>>
      %dma_start3A_227 = arith.constant 0 : i32
      %dma_start3A_228 = arith.constant 0 : i32
      %dma_start3A_229 = tpu.memref_slice %arg3[%add3A, %dma_start3A_227, %dma_start3A_228] : memref<32x4x16xi32, #tpu.memory_space<hbm>> -> memref<1x4x16xi32, #tpu.memory_space<hbm>>
      %dma_start3A_230 = tpu.memref_squeeze %dma_start3A_229 : memref<1x4x16xi32, #tpu.memory_space<hbm>> -> memref<4x16xi32, #tpu.memory_space<hbm>>
      tpu.enqueue_dma source(%dma_start3A_230 : memref<4x16xi32, #tpu.memory_space<hbm>>) target(%arg5 : memref<4x16xi32, #tpu.memory_space<vmem>>) target_semaphore(%run_scoped3A : memref<!tpu.dma_semaphore, #tpu.memory_space<semaphore_mem>>)
      %dma_wait3A_231 = arith.constant 0 : i32
      %dma_wait3A_232 = arith.constant 0 : i32
      %dma_wait3A_233 = tpu.memref_slice %arg3[%add3A, %dma_wait3A_231, %dma_wait3A_232] : memref<32x4x16xi32, #tpu.memory_space<hbm>> -> memref<1x4x16xi32, #tpu.memory_space<hbm>>
      %dma_wait3A_234 = tpu.memref_squeeze %dma_wait3A_233 : memref<1x4x16xi32, #tpu.memory_space<hbm>> -> memref<4x16xi32, #tpu.memory_space<hbm>>
      %dma_wait3A_235 = arith.constant 0 : i32
      %dma_wait3A_236 = arith.constant 0 : i32
      %dma_wait3A_237 = tpu.memref_slice %arg3[%add3A, %dma_wait3A_235, %dma_wait3A_236] : memref<32x4x16xi32, #tpu.memory_space<hbm>> -> memref<1x4x16xi32, #tpu.memory_space<hbm>>
      %dma_wait3A_238 = tpu.memref_squeeze %dma_wait3A_237 : memref<1x4x16xi32, #tpu.memory_space<hbm>> -> memref<4x16xi32, #tpu.memory_space<hbm>>
      tpu.wait_dma2 semaphore(%run_scoped3A : memref<!tpu.dma_semaphore, #tpu.memory_space<semaphore_mem>>) src(%dma_wait3A_238 : memref<4x16xi32, #tpu.memory_space<hbm>>) dst(%arg5 : memref<4x16xi32, #tpu.memory_space<vmem>>)
      tpu.yield
    }) : () -> ()
    %mul3A_1 = arith.constant 64 : i32
    %mul3A_2 = arith.muli %add3A, %mul3A_1 : i32
    %add3A_3 = arith.constant 0 : i32
    %add3A_4 = arith.addi %mul3A_2, %add3A_3 : i32
    %dma_start3A = arith.constant 0 : i32
    %dma_start3A_5 = arith.constant 0 : i32
    %dma_start3A_6 = arith.constant 0 : i32
    %dma_start3A_7 = tpu.memref_slice %arg6[%dma_start3A_5, %dma_start3A_6] : memref<64x768xf32, #tpu.memory_space<vmem>> -> memref<16x768xf32, #tpu.memory_space<vmem>>
    %dma_start3A_8 = arith.constant 0 : i32
    %dma_start3A_9 = tpu.memref_slice %arg2[%add3A_4, %dma_start3A_8] : memref<2048x768xf32, #tpu.memory_space<hbm>> -> memref<16x768xf32, #tpu.memory_space<hbm>>
    %dma_start3A_10 = tpu.memref_slice %arg7[%dma_start3A] : memref<4x!tpu.dma_semaphore, #tpu.memory_space<semaphore_mem>> -> memref<1x!tpu.dma_semaphore, #tpu.memory_space<semaphore_mem>>
    %dma_start3A_11 = tpu.memref_squeeze %dma_start3A_10 : memref<1x!tpu.dma_semaphore, #tpu.memory_space<semaphore_mem>> -> memref<!tpu.dma_semaphore, #tpu.memory_space<semaphore_mem>>
    %dma_start3A_12 = arith.constant 0 : i32
    %dma_start3A_13 = arith.constant 0 : i32
    %dma_start3A_14 = tpu.memref_slice %arg6[%dma_start3A_12, %dma_start3A_13] : memref<64x768xf32, #tpu.memory_space<vmem>> -> memref<16x768xf32, #tpu.memory_space<vmem>>
    %dma_start3A_15 = arith.constant 0 : i32
    %dma_start3A_16 = tpu.memref_slice %arg2[%add3A_4, %dma_start3A_15] : memref<2048x768xf32, #tpu.memory_space<hbm>> -> memref<16x768xf32, #tpu.memory_space<hbm>>
    tpu.enqueue_dma source(%dma_start3A_16 : memref<16x768xf32, #tpu.memory_space<hbm>>) target(%dma_start3A_14 : memref<16x768xf32, #tpu.memory_space<vmem>>) target_semaphore(%dma_start3A_11 : memref<!tpu.dma_semaphore, #tpu.memory_space<semaphore_mem>>)
    %mul3A_17 = arith.constant 64 : i32
    %mul3A_18 = arith.muli %add3A, %mul3A_17 : i32
    %add3A_19 = arith.constant 16 : i32
    %add3A_20 = arith.addi %mul3A_18, %add3A_19 : i32
    %dma_start3A_21 = arith.constant 1 : i32
    %dma_start3A_22 = arith.constant 16 : i32
    %dma_start3A_23 = arith.constant 0 : i32
    %dma_start3A_24 = tpu.memref_slice %arg6[%dma_start3A_22, %dma_start3A_23] : memref<64x768xf32, #tpu.memory_space<vmem>> -> memref<16x768xf32, #tpu.memory_space<vmem>>
    %dma_start3A_25 = arith.constant 0 : i32
    %dma_start3A_26 = tpu.memref_slice %arg2[%add3A_20, %dma_start3A_25] : memref<2048x768xf32, #tpu.memory_space<hbm>> -> memref<16x768xf32, #tpu.memory_space<hbm>>
    %dma_start3A_27 = tpu.memref_slice %arg7[%dma_start3A_21] : memref<4x!tpu.dma_semaphore, #tpu.memory_space<semaphore_mem>> -> memref<1x!tpu.dma_semaphore, #tpu.memory_space<semaphore_mem>>
    %dma_start3A_28 = tpu.memref_squeeze %dma_start3A_27 : memref<1x!tpu.dma_semaphore, #tpu.memory_space<semaphore_mem>> -> memref<!tpu.dma_semaphore, #tpu.memory_space<semaphore_mem>>
    %dma_start3A_29 = arith.constant 16 : i32
    %dma_start3A_30 = arith.constant 0 : i32
    %dma_start3A_31 = tpu.memref_slice %arg6[%dma_start3A_29, %dma_start3A_30] : memref<64x768xf32, #tpu.memory_space<vmem>> -> memref<16x768xf32, #tpu.memory_space<vmem>>
    %dma_start3A_32 = arith.constant 0 : i32
    %dma_start3A_33 = tpu.memref_slice %arg2[%add3A_20, %dma_start3A_32] : memref<2048x768xf32, #tpu.memory_space<hbm>> -> memref<16x768xf32, #tpu.memory_space<hbm>>
    tpu.enqueue_dma source(%dma_start3A_33 : memref<16x768xf32, #tpu.memory_space<hbm>>) target(%dma_start3A_31 : memref<16x768xf32, #tpu.memory_space<vmem>>) target_semaphore(%dma_start3A_28 : memref<!tpu.dma_semaphore, #tpu.memory_space<semaphore_mem>>)
    %mul3A_34 = arith.constant 64 : i32
    %mul3A_35 = arith.muli %add3A, %mul3A_34 : i32
    %add3A_36 = arith.constant 32 : i32
    %add3A_37 = arith.addi %mul3A_35, %add3A_36 : i32
    %dma_start3A_38 = arith.constant 2 : i32
    %dma_start3A_39 = arith.constant 32 : i32
    %dma_start3A_40 = arith.constant 0 : i32
    %dma_start3A_41 = tpu.memref_slice %arg6[%dma_start3A_39, %dma_start3A_40] : memref<64x768xf32, #tpu.memory_space<vmem>> -> memref<16x768xf32, #tpu.memory_space<vmem>>
    %dma_start3A_42 = arith.constant 0 : i32
    %dma_start3A_43 = tpu.memref_slice %arg2[%add3A_37, %dma_start3A_42] : memref<2048x768xf32, #tpu.memory_space<hbm>> -> memref<16x768xf32, #tpu.memory_space<hbm>>
    %dma_start3A_44 = tpu.memref_slice %arg7[%dma_start3A_38] : memref<4x!tpu.dma_semaphore, #tpu.memory_space<semaphore_mem>> -> memref<1x!tpu.dma_semaphore, #tpu.memory_space<semaphore_mem>>
    %dma_start3A_45 = tpu.memref_squeeze %dma_start3A_44 : memref<1x!tpu.dma_semaphore, #tpu.memory_space<semaphore_mem>> -> memref<!tpu.dma_semaphore, #tpu.memory_space<semaphore_mem>>
    %dma_start3A_46 = arith.constant 32 : i32
    %dma_start3A_47 = arith.constant 0 : i32
    %dma_start3A_48 = tpu.memref_slice %arg6[%dma_start3A_46, %dma_start3A_47] : memref<64x768xf32, #tpu.memory_space<vmem>> -> memref<16x768xf32, #tpu.memory_space<vmem>>
    %dma_start3A_49 = arith.constant 0 : i32
    %dma_start3A_50 = tpu.memref_slice %arg2[%add3A_37, %dma_start3A_49] : memref<2048x768xf32, #tpu.memory_space<hbm>> -> memref<16x768xf32, #tpu.memory_space<hbm>>
    tpu.enqueue_dma source(%dma_start3A_50 : memref<16x768xf32, #tpu.memory_space<hbm>>) target(%dma_start3A_48 : memref<16x768xf32, #tpu.memory_space<vmem>>) target_semaphore(%dma_start3A_45 : memref<!tpu.dma_semaphore, #tpu.memory_space<semaphore_mem>>)
    %mul3A_51 = arith.constant 64 : i32
    %mul3A_52 = arith.muli %add3A, %mul3A_51 : i32
    %add3A_53 = arith.constant 48 : i32
    %add3A_54 = arith.addi %mul3A_52, %add3A_53 : i32
    %dma_start3A_55 = arith.constant 3 : i32
    %dma_start3A_56 = arith.constant 48 : i32
    %dma_start3A_57 = arith.constant 0 : i32
    %dma_start3A_58 = tpu.memref_slice %arg6[%dma_start3A_56, %dma_start3A_57] : memref<64x768xf32, #tpu.memory_space<vmem>> -> memref<16x768xf32, #tpu.memory_space<vmem>>
    %dma_start3A_59 = arith.constant 0 : i32
    %dma_start3A_60 = tpu.memref_slice %arg2[%add3A_54, %dma_start3A_59] : memref<2048x768xf32, #tpu.memory_space<hbm>> -> memref<16x768xf32, #tpu.memory_space<hbm>>
    %dma_start3A_61 = tpu.memref_slice %arg7[%dma_start3A_55] : memref<4x!tpu.dma_semaphore, #tpu.memory_space<semaphore_mem>> -> memref<1x!tpu.dma_semaphore, #tpu.memory_space<semaphore_mem>>
    %dma_start3A_62 = tpu.memref_squeeze %dma_start3A_61 : memref<1x!tpu.dma_semaphore, #tpu.memory_space<semaphore_mem>> -> memref<!tpu.dma_semaphore, #tpu.memory_space<semaphore_mem>>
    %dma_start3A_63 = arith.constant 48 : i32
    %dma_start3A_64 = arith.constant 0 : i32
    %dma_start3A_65 = tpu.memref_slice %arg6[%dma_start3A_63, %dma_start3A_64] : memref<64x768xf32, #tpu.memory_space<vmem>> -> memref<16x768xf32, #tpu.memory_space<vmem>>
    %dma_start3A_66 = arith.constant 0 : i32
    %dma_start3A_67 = tpu.memref_slice %arg2[%add3A_54, %dma_start3A_66] : memref<2048x768xf32, #tpu.memory_space<hbm>> -> memref<16x768xf32, #tpu.memory_space<hbm>>
    tpu.enqueue_dma source(%dma_start3A_67 : memref<16x768xf32, #tpu.memory_space<hbm>>) target(%dma_start3A_65 : memref<16x768xf32, #tpu.memory_space<vmem>>) target_semaphore(%dma_start3A_62 : memref<!tpu.dma_semaphore, #tpu.memory_space<semaphore_mem>>)
    %dma_wait3A = arith.constant 0 : i32
    %dma_wait3A_68 = arith.constant 0 : i32
    %dma_wait3A_69 = arith.constant 0 : i32
    %dma_wait3A_70 = tpu.memref_slice %arg6[%dma_wait3A_68, %dma_wait3A_69] : memref<64x768xf32, #tpu.memory_space<vmem>> -> memref<16x768xf32, #tpu.memory_space<vmem>>
    %dma_wait3A_71 = arith.constant 0 : i32
    %dma_wait3A_72 = tpu.memref_slice %arg2[%add3A_4, %dma_wait3A_71] : memref<2048x768xf32, #tpu.memory_space<hbm>> -> memref<16x768xf32, #tpu.memory_space<hbm>>
    %dma_wait3A_73 = tpu.memref_slice %arg7[%dma_wait3A] : memref<4x!tpu.dma_semaphore, #tpu.memory_space<semaphore_mem>> -> memref<1x!tpu.dma_semaphore, #tpu.memory_space<semaphore_mem>>
    %dma_wait3A_74 = tpu.memref_squeeze %dma_wait3A_73 : memref<1x!tpu.dma_semaphore, #tpu.memory_space<semaphore_mem>> -> memref<!tpu.dma_semaphore, #tpu.memory_space<semaphore_mem>>
    %dma_wait3A_75 = arith.constant 0 : i32
    %dma_wait3A_76 = arith.constant 0 : i32
    %dma_wait3A_77 = tpu.memref_slice %arg6[%dma_wait3A_75, %dma_wait3A_76] : memref<64x768xf32, #tpu.memory_space<vmem>> -> memref<16x768xf32, #tpu.memory_space<vmem>>
    %dma_wait3A_78 = arith.constant 0 : i32
    %dma_wait3A_79 = tpu.memref_slice %arg2[%add3A_4, %dma_wait3A_78] : memref<2048x768xf32, #tpu.memory_space<hbm>> -> memref<16x768xf32, #tpu.memory_space<hbm>>
    tpu.wait_dma2 semaphore(%dma_wait3A_74 : memref<!tpu.dma_semaphore, #tpu.memory_space<semaphore_mem>>) src(%dma_wait3A_79 : memref<16x768xf32, #tpu.memory_space<hbm>>) dst(%dma_wait3A_77 : memref<16x768xf32, #tpu.memory_space<vmem>>)
    %dma_start3A_80 = arith.constant 0 : i32
    %dma_start3A_81 = arith.constant 0 : i32
    %dma_start3A_82 = arith.constant 0 : i32
    %dma_start3A_83 = arith.constant 0 : i32
    %dma_start3A_84 = tpu.memref_slice %arg6[%dma_start3A_82, %dma_start3A_83] : memref<64x768xf32, #tpu.memory_space<vmem>> -> memref<16x768xf32, #tpu.memory_space<vmem>>
    %dma_start3A_85 = arith.constant 0 : i32
    %dma_start3A_86 = tpu.memref_slice %arg5[%dma_start3A_80, %dma_start3A_85] : memref<4x16xi32, #tpu.memory_space<vmem>> -> memref<1x16xi32, #tpu.memory_space<vmem>>
    %dma_start3A_87 = tpu.memref_squeeze %dma_start3A_86 : memref<1x16xi32, #tpu.memory_space<vmem>> -> memref<16xi32, #tpu.memory_space<vmem>>
    %dma_start3A_88 = arith.constant 0 : i32
    %dma_start3A_89 = arith.constant 0 : i32
    %dma_start3A_90 = tpu.memref_slice %arg4[%dma_start3A_88, %dma_start3A_89] : memref<6144x768xf32, #tpu.memory_space<hbm>> -> memref<6144x768xf32, #tpu.memory_space<hbm>>
    %dma_start3A_91 = tpu.memref_slice %arg8[%dma_start3A_81] : memref<4x!tpu.dma_semaphore, #tpu.memory_space<semaphore_mem>> -> memref<1x!tpu.dma_semaphore, #tpu.memory_space<semaphore_mem>>
    %dma_start3A_92 = tpu.memref_squeeze %dma_start3A_91 : memref<1x!tpu.dma_semaphore, #tpu.memory_space<semaphore_mem>> -> memref<!tpu.dma_semaphore, #tpu.memory_space<semaphore_mem>>
    tpu.enqueue_indirect_dma source(%dma_start3A_84 : memref<16x768xf32, #tpu.memory_space<vmem>>) target(%dma_start3A_90 : memref<6144x768xf32, #tpu.memory_space<hbm>>) offsets(%dma_start3A_87 : memref<16xi32, #tpu.memory_space<vmem>>) semaphore(%dma_start3A_92 : memref<!tpu.dma_semaphore, #tpu.memory_space<semaphore_mem>>)
    %dma_wait3A_93 = arith.constant 1 : i32
    %dma_wait3A_94 = arith.constant 16 : i32
    %dma_wait3A_95 = arith.constant 0 : i32
    %dma_wait3A_96 = tpu.memref_slice %arg6[%dma_wait3A_94, %dma_wait3A_95] : memref<64x768xf32, #tpu.memory_space<vmem>> -> memref<16x768xf32, #tpu.memory_space<vmem>>
    %dma_wait3A_97 = arith.constant 0 : i32
    %dma_wait3A_98 = tpu.memref_slice %arg2[%add3A_20, %dma_wait3A_97] : memref<2048x768xf32, #tpu.memory_space<hbm>> -> memref<16x768xf32, #tpu.memory_space<hbm>>
    %dma_wait3A_99 = tpu.memref_slice %arg7[%dma_wait3A_93] : memref<4x!tpu.dma_semaphore, #tpu.memory_space<semaphore_mem>> -> memref<1x!tpu.dma_semaphore, #tpu.memory_space<semaphore_mem>>
    %dma_wait3A_100 = tpu.memref_squeeze %dma_wait3A_99 : memref<1x!tpu.dma_semaphore, #tpu.memory_space<semaphore_mem>> -> memref<!tpu.dma_semaphore, #tpu.memory_space<semaphore_mem>>
    %dma_wait3A_101 = arith.constant 16 : i32
    %dma_wait3A_102 = arith.constant 0 : i32
    %dma_wait3A_103 = tpu.memref_slice %arg6[%dma_wait3A_101, %dma_wait3A_102] : memref<64x768xf32, #tpu.memory_space<vmem>> -> memref<16x768xf32, #tpu.memory_space<vmem>>
    %dma_wait3A_104 = arith.constant 0 : i32
    %dma_wait3A_105 = tpu.memref_slice %arg2[%add3A_20, %dma_wait3A_104] : memref<2048x768xf32, #tpu.memory_space<hbm>> -> memref<16x768xf32, #tpu.memory_space<hbm>>
    tpu.wait_dma2 semaphore(%dma_wait3A_100 : memref<!tpu.dma_semaphore, #tpu.memory_space<semaphore_mem>>) src(%dma_wait3A_105 : memref<16x768xf32, #tpu.memory_space<hbm>>) dst(%dma_wait3A_103 : memref<16x768xf32, #tpu.memory_space<vmem>>)
    %dma_start3A_106 = arith.constant 1 : i32
    %dma_start3A_107 = arith.constant 1 : i32
    %dma_start3A_108 = arith.constant 16 : i32
    %dma_start3A_109 = arith.constant 0 : i32
    %dma_start3A_110 = tpu.memref_slice %arg6[%dma_start3A_108, %dma_start3A_109] : memref<64x768xf32, #tpu.memory_space<vmem>> -> memref<16x768xf32, #tpu.memory_space<vmem>>
    %dma_start3A_111 = arith.constant 0 : i32
    %dma_start3A_112 = tpu.memref_slice %arg5[%dma_start3A_106, %dma_start3A_111] : memref<4x16xi32, #tpu.memory_space<vmem>> -> memref<1x16xi32, #tpu.memory_space<vmem>>
    %dma_start3A_113 = tpu.memref_squeeze %dma_start3A_112 : memref<1x16xi32, #tpu.memory_space<vmem>> -> memref<16xi32, #tpu.memory_space<vmem>>
    %dma_start3A_114 = arith.constant 0 : i32
    %dma_start3A_115 = arith.constant 0 : i32
    %dma_start3A_116 = tpu.memref_slice %arg4[%dma_start3A_114, %dma_start3A_115] : memref<6144x768xf32, #tpu.memory_space<hbm>> -> memref<6144x768xf32, #tpu.memory_space<hbm>>
    %dma_start3A_117 = tpu.memref_slice %arg8[%dma_start3A_107] : memref<4x!tpu.dma_semaphore, #tpu.memory_space<semaphore_mem>> -> memref<1x!tpu.dma_semaphore, #tpu.memory_space<semaphore_mem>>
    %dma_start3A_118 = tpu.memref_squeeze %dma_start3A_117 : memref<1x!tpu.dma_semaphore, #tpu.memory_space<semaphore_mem>> -> memref<!tpu.dma_semaphore, #tpu.memory_space<semaphore_mem>>
    tpu.enqueue_indirect_dma source(%dma_start3A_110 : memref<16x768xf32, #tpu.memory_space<vmem>>) target(%dma_start3A_116 : memref<6144x768xf32, #tpu.memory_space<hbm>>) offsets(%dma_start3A_113 : memref<16xi32, #tpu.memory_space<vmem>>) semaphore(%dma_start3A_118 : memref<!tpu.dma_semaphore, #tpu.memory_space<semaphore_mem>>)
    %dma_wait3A_119 = arith.constant 2 : i32
    %dma_wait3A_120 = arith.constant 32 : i32
    %dma_wait3A_121 = arith.constant 0 : i32
    %dma_wait3A_122 = tpu.memref_slice %arg6[%dma_wait3A_120, %dma_wait3A_121] : memref<64x768xf32, #tpu.memory_space<vmem>> -> memref<16x768xf32, #tpu.memory_space<vmem>>
    %dma_wait3A_123 = arith.constant 0 : i32
    %dma_wait3A_124 = tpu.memref_slice %arg2[%add3A_37, %dma_wait3A_123] : memref<2048x768xf32, #tpu.memory_space<hbm>> -> memref<16x768xf32, #tpu.memory_space<hbm>>
    %dma_wait3A_125 = tpu.memref_slice %arg7[%dma_wait3A_119] : memref<4x!tpu.dma_semaphore, #tpu.memory_space<semaphore_mem>> -> memref<1x!tpu.dma_semaphore, #tpu.memory_space<semaphore_mem>>
    %dma_wait3A_126 = tpu.memref_squeeze %dma_wait3A_125 : memref<1x!tpu.dma_semaphore, #tpu.memory_space<semaphore_mem>> -> memref<!tpu.dma_semaphore, #tpu.memory_space<semaphore_mem>>
    %dma_wait3A_127 = arith.constant 32 : i32
    %dma_wait3A_128 = arith.constant 0 : i32
    %dma_wait3A_129 = tpu.memref_slice %arg6[%dma_wait3A_127, %dma_wait3A_128] : memref<64x768xf32, #tpu.memory_space<vmem>> -> memref<16x768xf32, #tpu.memory_space<vmem>>
    %dma_wait3A_130 = arith.constant 0 : i32
    %dma_wait3A_131 = tpu.memref_slice %arg2[%add3A_37, %dma_wait3A_130] : memref<2048x768xf32, #tpu.memory_space<hbm>> -> memref<16x768xf32, #tpu.memory_space<hbm>>
    tpu.wait_dma2 semaphore(%dma_wait3A_126 : memref<!tpu.dma_semaphore, #tpu.memory_space<semaphore_mem>>) src(%dma_wait3A_131 : memref<16x768xf32, #tpu.memory_space<hbm>>) dst(%dma_wait3A_129 : memref<16x768xf32, #tpu.memory_space<vmem>>)
    %dma_start3A_132 = arith.constant 2 : i32
    %dma_start3A_133 = arith.constant 2 : i32
    %dma_start3A_134 = arith.constant 32 : i32
    %dma_start3A_135 = arith.constant 0 : i32
    %dma_start3A_136 = tpu.memref_slice %arg6[%dma_start3A_134, %dma_start3A_135] : memref<64x768xf32, #tpu.memory_space<vmem>> -> memref<16x768xf32, #tpu.memory_space<vmem>>
    %dma_start3A_137 = arith.constant 0 : i32
    %dma_start3A_138 = tpu.memref_slice %arg5[%dma_start3A_132, %dma_start3A_137] : memref<4x16xi32, #tpu.memory_space<vmem>> -> memref<1x16xi32, #tpu.memory_space<vmem>>
    %dma_start3A_139 = tpu.memref_squeeze %dma_start3A_138 : memref<1x16xi32, #tpu.memory_space<vmem>> -> memref<16xi32, #tpu.memory_space<vmem>>
    %dma_start3A_140 = arith.constant 0 : i32
    %dma_start3A_141 = arith.constant 0 : i32
    %dma_start3A_142 = tpu.memref_slice %arg4[%dma_start3A_140, %dma_start3A_141] : memref<6144x768xf32, #tpu.memory_space<hbm>> -> memref<6144x768xf32, #tpu.memory_space<hbm>>
    %dma_start3A_143 = tpu.memref_slice %arg8[%dma_start3A_133] : memref<4x!tpu.dma_semaphore, #tpu.memory_space<semaphore_mem>> -> memref<1x!tpu.dma_semaphore, #tpu.memory_space<semaphore_mem>>
    %dma_start3A_144 = tpu.memref_squeeze %dma_start3A_143 : memref<1x!tpu.dma_semaphore, #tpu.memory_space<semaphore_mem>> -> memref<!tpu.dma_semaphore, #tpu.memory_space<semaphore_mem>>
    tpu.enqueue_indirect_dma source(%dma_start3A_136 : memref<16x768xf32, #tpu.memory_space<vmem>>) target(%dma_start3A_142 : memref<6144x768xf32, #tpu.memory_space<hbm>>) offsets(%dma_start3A_139 : memref<16xi32, #tpu.memory_space<vmem>>) semaphore(%dma_start3A_144 : memref<!tpu.dma_semaphore, #tpu.memory_space<semaphore_mem>>)
    %dma_wait3A_145 = arith.constant 3 : i32
    %dma_wait3A_146 = arith.constant 48 : i32
    %dma_wait3A_147 = arith.constant 0 : i32
    %dma_wait3A_148 = tpu.memref_slice %arg6[%dma_wait3A_146, %dma_wait3A_147] : memref<64x768xf32, #tpu.memory_space<vmem>> -> memref<16x768xf32, #tpu.memory_space<vmem>>
    %dma_wait3A_149 = arith.constant 0 : i32
    %dma_wait3A_150 = tpu.memref_slice %arg2[%add3A_54, %dma_wait3A_149] : memref<2048x768xf32, #tpu.memory_space<hbm>> -> memref<16x768xf32, #tpu.memory_space<hbm>>
    %dma_wait3A_151 = tpu.memref_slice %arg7[%dma_wait3A_145] : memref<4x!tpu.dma_semaphore, #tpu.memory_space<semaphore_mem>> -> memref<1x!tpu.dma_semaphore, #tpu.memory_space<semaphore_mem>>
    %dma_wait3A_152 = tpu.memref_squeeze %dma_wait3A_151 : memref<1x!tpu.dma_semaphore, #tpu.memory_space<semaphore_mem>> -> memref<!tpu.dma_semaphore, #tpu.memory_space<semaphore_mem>>
    %dma_wait3A_153 = arith.constant 48 : i32
    %dma_wait3A_154 = arith.constant 0 : i32
    %dma_wait3A_155 = tpu.memref_slice %arg6[%dma_wait3A_153, %dma_wait3A_154] : memref<64x768xf32, #tpu.memory_space<vmem>> -> memref<16x768xf32, #tpu.memory_space<vmem>>
    %dma_wait3A_156 = arith.constant 0 : i32
    %dma_wait3A_157 = tpu.memref_slice %arg2[%add3A_54, %dma_wait3A_156] : memref<2048x768xf32, #tpu.memory_space<hbm>> -> memref<16x768xf32, #tpu.memory_space<hbm>>
    tpu.wait_dma2 semaphore(%dma_wait3A_152 : memref<!tpu.dma_semaphore, #tpu.memory_space<semaphore_mem>>) src(%dma_wait3A_157 : memref<16x768xf32, #tpu.memory_space<hbm>>) dst(%dma_wait3A_155 : memref<16x768xf32, #tpu.memory_space<vmem>>)
    %dma_start3A_158 = arith.constant 3 : i32
    %dma_start3A_159 = arith.constant 3 : i32
    %dma_start3A_160 = arith.constant 48 : i32
    %dma_start3A_161 = arith.constant 0 : i32
    %dma_start3A_162 = tpu.memref_slice %arg6[%dma_start3A_160, %dma_start3A_161] : memref<64x768xf32, #tpu.memory_space<vmem>> -> memref<16x768xf32, #tpu.memory_space<vmem>>
    %dma_start3A_163 = arith.constant 0 : i32
    %dma_start3A_164 = tpu.memref_slice %arg5[%dma_start3A_158, %dma_start3A_163] : memref<4x16xi32, #tpu.memory_space<vmem>> -> memref<1x16xi32, #tpu.memory_space<vmem>>
    %dma_start3A_165 = tpu.memref_squeeze %dma_start3A_164 : memref<1x16xi32, #tpu.memory_space<vmem>> -> memref<16xi32, #tpu.memory_space<vmem>>
    %dma_start3A_166 = arith.constant 0 : i32
    %dma_start3A_167 = arith.constant 0 : i32
    %dma_start3A_168 = tpu.memref_slice %arg4[%dma_start3A_166, %dma_start3A_167] : memref<6144x768xf32, #tpu.memory_space<hbm>> -> memref<6144x768xf32, #tpu.memory_space<hbm>>
    %dma_start3A_169 = tpu.memref_slice %arg8[%dma_start3A_159] : memref<4x!tpu.dma_semaphore, #tpu.memory_space<semaphore_mem>> -> memref<1x!tpu.dma_semaphore, #tpu.memory_space<semaphore_mem>>
    %dma_start3A_170 = tpu.memref_squeeze %dma_start3A_169 : memref<1x!tpu.dma_semaphore, #tpu.memory_space<semaphore_mem>> -> memref<!tpu.dma_semaphore, #tpu.memory_space<semaphore_mem>>
    tpu.enqueue_indirect_dma source(%dma_start3A_162 : memref<16x768xf32, #tpu.memory_space<vmem>>) target(%dma_start3A_168 : memref<6144x768xf32, #tpu.memory_space<hbm>>) offsets(%dma_start3A_165 : memref<16xi32, #tpu.memory_space<vmem>>) semaphore(%dma_start3A_170 : memref<!tpu.dma_semaphore, #tpu.memory_space<semaphore_mem>>)
    %dma_wait3A_171 = arith.constant 0 : i32
    %dma_wait3A_172 = arith.constant 0 : i32
    %dma_wait3A_173 = arith.constant 0 : i32
    %dma_wait3A_174 = arith.constant 0 : i32
    %dma_wait3A_175 = tpu.memref_slice %arg6[%dma_wait3A_173, %dma_wait3A_174] : memref<64x768xf32, #tpu.memory_space<vmem>> -> memref<16x768xf32, #tpu.memory_space<vmem>>
    %dma_wait3A_176 = arith.constant 0 : i32
    %dma_wait3A_177 = tpu.memref_slice %arg5[%dma_wait3A_171, %dma_wait3A_176] : memref<4x16xi32, #tpu.memory_space<vmem>> -> memref<1x16xi32, #tpu.memory_space<vmem>>
    %dma_wait3A_178 = tpu.memref_squeeze %dma_wait3A_177 : memref<1x16xi32, #tpu.memory_space<vmem>> -> memref<16xi32, #tpu.memory_space<vmem>>
    %dma_wait3A_179 = arith.constant 0 : i32
    %dma_wait3A_180 = arith.constant 0 : i32
    %dma_wait3A_181 = tpu.memref_slice %arg4[%dma_wait3A_179, %dma_wait3A_180] : memref<6144x768xf32, #tpu.memory_space<hbm>> -> memref<6144x768xf32, #tpu.memory_space<hbm>>
    %dma_wait3A_182 = tpu.memref_slice %arg8[%dma_wait3A_172] : memref<4x!tpu.dma_semaphore, #tpu.memory_space<semaphore_mem>> -> memref<1x!tpu.dma_semaphore, #tpu.memory_space<semaphore_mem>>
    %dma_wait3A_183 = tpu.memref_squeeze %dma_wait3A_182 : memref<1x!tpu.dma_semaphore, #tpu.memory_space<semaphore_mem>> -> memref<!tpu.dma_semaphore, #tpu.memory_space<semaphore_mem>>
    tpu.wait_indirect_dma semaphore(%dma_wait3A_183 : memref<!tpu.dma_semaphore, #tpu.memory_space<semaphore_mem>>) src(%dma_wait3A_175 : memref<16x768xf32, #tpu.memory_space<vmem>>) dst(%dma_wait3A_181 : memref<6144x768xf32, #tpu.memory_space<hbm>>)
    %dma_wait3A_184 = arith.constant 1 : i32
    %dma_wait3A_185 = arith.constant 1 : i32
    %dma_wait3A_186 = arith.constant 16 : i32
    %dma_wait3A_187 = arith.constant 0 : i32
    %dma_wait3A_188 = tpu.memref_slice %arg6[%dma_wait3A_186, %dma_wait3A_187] : memref<64x768xf32, #tpu.memory_space<vmem>> -> memref<16x768xf32, #tpu.memory_space<vmem>>
    %dma_wait3A_189 = arith.constant 0 : i32
    %dma_wait3A_190 = tpu.memref_slice %arg5[%dma_wait3A_184, %dma_wait3A_189] : memref<4x16xi32, #tpu.memory_space<vmem>> -> memref<1x16xi32, #tpu.memory_space<vmem>>
    %dma_wait3A_191 = tpu.memref_squeeze %dma_wait3A_190 : memref<1x16xi32, #tpu.memory_space<vmem>> -> memref<16xi32, #tpu.memory_space<vmem>>
    %dma_wait3A_192 = arith.constant 0 : i32
    %dma_wait3A_193 = arith.constant 0 : i32
    %dma_wait3A_194 = tpu.memref_slice %arg4[%dma_wait3A_192, %dma_wait3A_193] : memref<6144x768xf32, #tpu.memory_space<hbm>> -> memref<6144x768xf32, #tpu.memory_space<hbm>>
    %dma_wait3A_195 = tpu.memref_slice %arg8[%dma_wait3A_185] : memref<4x!tpu.dma_semaphore, #tpu.memory_space<semaphore_mem>> -> memref<1x!tpu.dma_semaphore, #tpu.memory_space<semaphore_mem>>
    %dma_wait3A_196 = tpu.memref_squeeze %dma_wait3A_195 : memref<1x!tpu.dma_semaphore, #tpu.memory_space<semaphore_mem>> -> memref<!tpu.dma_semaphore, #tpu.memory_space<semaphore_mem>>
    tpu.wait_indirect_dma semaphore(%dma_wait3A_196 : memref<!tpu.dma_semaphore, #tpu.memory_space<semaphore_mem>>) src(%dma_wait3A_188 : memref<16x768xf32, #tpu.memory_space<vmem>>) dst(%dma_wait3A_194 : memref<6144x768xf32, #tpu.memory_space<hbm>>)
    %dma_wait3A_197 = arith.constant 2 : i32
    %dma_wait3A_198 = arith.constant 2 : i32
    %dma_wait3A_199 = arith.constant 32 : i32
    %dma_wait3A_200 = arith.constant 0 : i32
    %dma_wait3A_201 = tpu.memref_slice %arg6[%dma_wait3A_199, %dma_wait3A_200] : memref<64x768xf32, #tpu.memory_space<vmem>> -> memref<16x768xf32, #tpu.memory_space<vmem>>
    %dma_wait3A_202 = arith.constant 0 : i32
    %dma_wait3A_203 = tpu.memref_slice %arg5[%dma_wait3A_197, %dma_wait3A_202] : memref<4x16xi32, #tpu.memory_space<vmem>> -> memref<1x16xi32, #tpu.memory_space<vmem>>
    %dma_wait3A_204 = tpu.memref_squeeze %dma_wait3A_203 : memref<1x16xi32, #tpu.memory_space<vmem>> -> memref<16xi32, #tpu.memory_space<vmem>>
    %dma_wait3A_205 = arith.constant 0 : i32
    %dma_wait3A_206 = arith.constant 0 : i32
    %dma_wait3A_207 = tpu.memref_slice %arg4[%dma_wait3A_205, %dma_wait3A_206] : memref<6144x768xf32, #tpu.memory_space<hbm>> -> memref<6144x768xf32, #tpu.memory_space<hbm>>
    %dma_wait3A_208 = tpu.memref_slice %arg8[%dma_wait3A_198] : memref<4x!tpu.dma_semaphore, #tpu.memory_space<semaphore_mem>> -> memref<1x!tpu.dma_semaphore, #tpu.memory_space<semaphore_mem>>
    %dma_wait3A_209 = tpu.memref_squeeze %dma_wait3A_208 : memref<1x!tpu.dma_semaphore, #tpu.memory_space<semaphore_mem>> -> memref<!tpu.dma_semaphore, #tpu.memory_space<semaphore_mem>>
    tpu.wait_indirect_dma semaphore(%dma_wait3A_209 : memref<!tpu.dma_semaphore, #tpu.memory_space<semaphore_mem>>) src(%dma_wait3A_201 : memref<16x768xf32, #tpu.memory_space<vmem>>) dst(%dma_wait3A_207 : memref<6144x768xf32, #tpu.memory_space<hbm>>)
    %dma_wait3A_210 = arith.constant 3 : i32
    %dma_wait3A_211 = arith.constant 3 : i32
    %dma_wait3A_212 = arith.constant 48 : i32
    %dma_wait3A_213 = arith.constant 0 : i32
    %dma_wait3A_214 = tpu.memref_slice %arg6[%dma_wait3A_212, %dma_wait3A_213] : memref<64x768xf32, #tpu.memory_space<vmem>> -> memref<16x768xf32, #tpu.memory_space<vmem>>
    %dma_wait3A_215 = arith.constant 0 : i32
    %dma_wait3A_216 = tpu.memref_slice %arg5[%dma_wait3A_210, %dma_wait3A_215] : memref<4x16xi32, #tpu.memory_space<vmem>> -> memref<1x16xi32, #tpu.memory_space<vmem>>
    %dma_wait3A_217 = tpu.memref_squeeze %dma_wait3A_216 : memref<1x16xi32, #tpu.memory_space<vmem>> -> memref<16xi32, #tpu.memory_space<vmem>>
    %dma_wait3A_218 = arith.constant 0 : i32
    %dma_wait3A_219 = arith.constant 0 : i32
    %dma_wait3A_220 = tpu.memref_slice %arg4[%dma_wait3A_218, %dma_wait3A_219] : memref<6144x768xf32, #tpu.memory_space<hbm>> -> memref<6144x768xf32, #tpu.memory_space<hbm>>
    %dma_wait3A_221 = tpu.memref_slice %arg8[%dma_wait3A_211] : memref<4x!tpu.dma_semaphore, #tpu.memory_space<semaphore_mem>> -> memref<1x!tpu.dma_semaphore, #tpu.memory_space<semaphore_mem>>
    %dma_wait3A_222 = tpu.memref_squeeze %dma_wait3A_221 : memref<1x!tpu.dma_semaphore, #tpu.memory_space<semaphore_mem>> -> memref<!tpu.dma_semaphore, #tpu.memory_space<semaphore_mem>>
    tpu.wait_indirect_dma semaphore(%dma_wait3A_222 : memref<!tpu.dma_semaphore, #tpu.memory_space<semaphore_mem>>) src(%dma_wait3A_214 : memref<16x768xf32, #tpu.memory_space<vmem>>) dst(%dma_wait3A_220 : memref<6144x768xf32, #tpu.memory_space<hbm>>)
    return
  }
}

#map = affine_map<(d0, d1) -> (0, 0)>
#map1 = affine_map<(d0, d1) -> (0, 0, 0)>
module attributes {stable_mosaic.version = 14 : i64} {
  func.func @_combine(%arg0: i32, %arg1: i32, %arg2: memref<6144x768xf32, #tpu.memory_space<hbm>>, %arg3: memref<32x4x16xi32, #tpu.memory_space<hbm>>, %arg4: memref<2048x768xf32, #tpu.memory_space<hbm>>, %arg5: memref<4x16xi32, #tpu.memory_space<vmem>>, %arg6: memref<64x768xf32, #tpu.memory_space<vmem>>, %arg7: memref<4x!tpu.dma_semaphore, #tpu.memory_space<semaphore_mem>>, %arg8: memref<4x!tpu.dma_semaphore, #tpu.memory_space<semaphore_mem>>) attributes {dimension_semantics = [#tpu.dimension_semantics<core_parallel>, #tpu.dimension_semantics<subcore_parallel>], iteration_bounds = array<i64: 2, 16>, scalar_prefetch = 0 : i64, scratch_operands = 4 : i64, tpu.core_type = #tpu.core_type<sc_vector_subcore>, window_params = [{transform_indices = #map}, {transform_indices = #map1}, {transform_indices = #map}]} {
    %mul3A = arith.constant 2 : i32
    %mul3A_0 = arith.muli %arg1, %mul3A : i32
    %add3A = arith.addi %mul3A_0, %arg0 : i32
    "tpu.region"() ({
      %run_scoped3A = tpu.sem_alloc : memref<!tpu.dma_semaphore, #tpu.memory_space<semaphore_mem>>
      %dma_start3A_223 = arith.constant 0 : i32
      %dma_start3A_224 = arith.constant 0 : i32
      %dma_start3A_225 = tpu.memref_slice %arg3[%add3A, %dma_start3A_223, %dma_start3A_224] : memref<32x4x16xi32, #tpu.memory_space<hbm>> -> memref<1x4x16xi32, #tpu.memory_space<hbm>>
      %dma_start3A_226 = tpu.memref_squeeze %dma_start3A_225 : memref<1x4x16xi32, #tpu.memory_space<hbm>> -> memref<4x16xi32, #tpu.memory_space<hbm>>
      %dma_start3A_227 = arith.constant 0 : i32
      %dma_start3A_228 = arith.constant 0 : i32
      %dma_start3A_229 = tpu.memref_slice %arg3[%add3A, %dma_start3A_227, %dma_start3A_228] : memref<32x4x16xi32, #tpu.memory_space<hbm>> -> memref<1x4x16xi32, #tpu.memory_space<hbm>>
      %dma_start3A_230 = tpu.memref_squeeze %dma_start3A_229 : memref<1x4x16xi32, #tpu.memory_space<hbm>> -> memref<4x16xi32, #tpu.memory_space<hbm>>
      tpu.enqueue_dma source(%dma_start3A_230 : memref<4x16xi32, #tpu.memory_space<hbm>>) target(%arg5 : memref<4x16xi32, #tpu.memory_space<vmem>>) target_semaphore(%run_scoped3A : memref<!tpu.dma_semaphore, #tpu.memory_space<semaphore_mem>>)
      %dma_wait3A_231 = arith.constant 0 : i32
      %dma_wait3A_232 = arith.constant 0 : i32
      %dma_wait3A_233 = tpu.memref_slice %arg3[%add3A, %dma_wait3A_231, %dma_wait3A_232] : memref<32x4x16xi32, #tpu.memory_space<hbm>> -> memref<1x4x16xi32, #tpu.memory_space<hbm>>
      %dma_wait3A_234 = tpu.memref_squeeze %dma_wait3A_233 : memref<1x4x16xi32, #tpu.memory_space<hbm>> -> memref<4x16xi32, #tpu.memory_space<hbm>>
      %dma_wait3A_235 = arith.constant 0 : i32
      %dma_wait3A_236 = arith.constant 0 : i32
      %dma_wait3A_237 = tpu.memref_slice %arg3[%add3A, %dma_wait3A_235, %dma_wait3A_236] : memref<32x4x16xi32, #tpu.memory_space<hbm>> -> memref<1x4x16xi32, #tpu.memory_space<hbm>>
      %dma_wait3A_238 = tpu.memref_squeeze %dma_wait3A_237 : memref<1x4x16xi32, #tpu.memory_space<hbm>> -> memref<4x16xi32, #tpu.memory_space<hbm>>
      tpu.wait_dma2 semaphore(%run_scoped3A : memref<!tpu.dma_semaphore, #tpu.memory_space<semaphore_mem>>) src(%dma_wait3A_238 : memref<4x16xi32, #tpu.memory_space<hbm>>) dst(%arg5 : memref<4x16xi32, #tpu.memory_space<vmem>>)
      tpu.yield
    }) : () -> ()
    %dma_start3A = arith.constant 0 : i32
    %dma_start3A_1 = arith.constant 0 : i32
    %dma_start3A_2 = arith.constant 0 : i32
    %dma_start3A_3 = arith.constant 0 : i32
    %dma_start3A_4 = tpu.memref_slice %arg6[%dma_start3A_2, %dma_start3A_3] : memref<64x768xf32, #tpu.memory_space<vmem>> -> memref<16x768xf32, #tpu.memory_space<vmem>>
    %dma_start3A_5 = arith.constant 0 : i32
    %dma_start3A_6 = tpu.memref_slice %arg5[%dma_start3A, %dma_start3A_5] : memref<4x16xi32, #tpu.memory_space<vmem>> -> memref<1x16xi32, #tpu.memory_space<vmem>>
    %dma_start3A_7 = tpu.memref_squeeze %dma_start3A_6 : memref<1x16xi32, #tpu.memory_space<vmem>> -> memref<16xi32, #tpu.memory_space<vmem>>
    %dma_start3A_8 = arith.constant 0 : i32
    %dma_start3A_9 = arith.constant 0 : i32
    %dma_start3A_10 = tpu.memref_slice %arg2[%dma_start3A_8, %dma_start3A_9] : memref<6144x768xf32, #tpu.memory_space<hbm>> -> memref<6144x768xf32, #tpu.memory_space<hbm>>
    %dma_start3A_11 = tpu.memref_slice %arg7[%dma_start3A_1] : memref<4x!tpu.dma_semaphore, #tpu.memory_space<semaphore_mem>> -> memref<1x!tpu.dma_semaphore, #tpu.memory_space<semaphore_mem>>
    %dma_start3A_12 = tpu.memref_squeeze %dma_start3A_11 : memref<1x!tpu.dma_semaphore, #tpu.memory_space<semaphore_mem>> -> memref<!tpu.dma_semaphore, #tpu.memory_space<semaphore_mem>>
    tpu.enqueue_indirect_dma source(%dma_start3A_10 : memref<6144x768xf32, #tpu.memory_space<hbm>>) target(%dma_start3A_4 : memref<16x768xf32, #tpu.memory_space<vmem>>) offsets(%dma_start3A_7 : memref<16xi32, #tpu.memory_space<vmem>>) semaphore(%dma_start3A_12 : memref<!tpu.dma_semaphore, #tpu.memory_space<semaphore_mem>>)
    %dma_start3A_13 = arith.constant 1 : i32
    %dma_start3A_14 = arith.constant 1 : i32
    %dma_start3A_15 = arith.constant 16 : i32
    %dma_start3A_16 = arith.constant 0 : i32
    %dma_start3A_17 = tpu.memref_slice %arg6[%dma_start3A_15, %dma_start3A_16] : memref<64x768xf32, #tpu.memory_space<vmem>> -> memref<16x768xf32, #tpu.memory_space<vmem>>
    %dma_start3A_18 = arith.constant 0 : i32
    %dma_start3A_19 = tpu.memref_slice %arg5[%dma_start3A_13, %dma_start3A_18] : memref<4x16xi32, #tpu.memory_space<vmem>> -> memref<1x16xi32, #tpu.memory_space<vmem>>
    %dma_start3A_20 = tpu.memref_squeeze %dma_start3A_19 : memref<1x16xi32, #tpu.memory_space<vmem>> -> memref<16xi32, #tpu.memory_space<vmem>>
    %dma_start3A_21 = arith.constant 0 : i32
    %dma_start3A_22 = arith.constant 0 : i32
    %dma_start3A_23 = tpu.memref_slice %arg2[%dma_start3A_21, %dma_start3A_22] : memref<6144x768xf32, #tpu.memory_space<hbm>> -> memref<6144x768xf32, #tpu.memory_space<hbm>>
    %dma_start3A_24 = tpu.memref_slice %arg7[%dma_start3A_14] : memref<4x!tpu.dma_semaphore, #tpu.memory_space<semaphore_mem>> -> memref<1x!tpu.dma_semaphore, #tpu.memory_space<semaphore_mem>>
    %dma_start3A_25 = tpu.memref_squeeze %dma_start3A_24 : memref<1x!tpu.dma_semaphore, #tpu.memory_space<semaphore_mem>> -> memref<!tpu.dma_semaphore, #tpu.memory_space<semaphore_mem>>
    tpu.enqueue_indirect_dma source(%dma_start3A_23 : memref<6144x768xf32, #tpu.memory_space<hbm>>) target(%dma_start3A_17 : memref<16x768xf32, #tpu.memory_space<vmem>>) offsets(%dma_start3A_20 : memref<16xi32, #tpu.memory_space<vmem>>) semaphore(%dma_start3A_25 : memref<!tpu.dma_semaphore, #tpu.memory_space<semaphore_mem>>)
    %dma_start3A_26 = arith.constant 2 : i32
    %dma_start3A_27 = arith.constant 2 : i32
    %dma_start3A_28 = arith.constant 32 : i32
    %dma_start3A_29 = arith.constant 0 : i32
    %dma_start3A_30 = tpu.memref_slice %arg6[%dma_start3A_28, %dma_start3A_29] : memref<64x768xf32, #tpu.memory_space<vmem>> -> memref<16x768xf32, #tpu.memory_space<vmem>>
    %dma_start3A_31 = arith.constant 0 : i32
    %dma_start3A_32 = tpu.memref_slice %arg5[%dma_start3A_26, %dma_start3A_31] : memref<4x16xi32, #tpu.memory_space<vmem>> -> memref<1x16xi32, #tpu.memory_space<vmem>>
    %dma_start3A_33 = tpu.memref_squeeze %dma_start3A_32 : memref<1x16xi32, #tpu.memory_space<vmem>> -> memref<16xi32, #tpu.memory_space<vmem>>
    %dma_start3A_34 = arith.constant 0 : i32
    %dma_start3A_35 = arith.constant 0 : i32
    %dma_start3A_36 = tpu.memref_slice %arg2[%dma_start3A_34, %dma_start3A_35] : memref<6144x768xf32, #tpu.memory_space<hbm>> -> memref<6144x768xf32, #tpu.memory_space<hbm>>
    %dma_start3A_37 = tpu.memref_slice %arg7[%dma_start3A_27] : memref<4x!tpu.dma_semaphore, #tpu.memory_space<semaphore_mem>> -> memref<1x!tpu.dma_semaphore, #tpu.memory_space<semaphore_mem>>
    %dma_start3A_38 = tpu.memref_squeeze %dma_start3A_37 : memref<1x!tpu.dma_semaphore, #tpu.memory_space<semaphore_mem>> -> memref<!tpu.dma_semaphore, #tpu.memory_space<semaphore_mem>>
    tpu.enqueue_indirect_dma source(%dma_start3A_36 : memref<6144x768xf32, #tpu.memory_space<hbm>>) target(%dma_start3A_30 : memref<16x768xf32, #tpu.memory_space<vmem>>) offsets(%dma_start3A_33 : memref<16xi32, #tpu.memory_space<vmem>>) semaphore(%dma_start3A_38 : memref<!tpu.dma_semaphore, #tpu.memory_space<semaphore_mem>>)
    %dma_start3A_39 = arith.constant 3 : i32
    %dma_start3A_40 = arith.constant 3 : i32
    %dma_start3A_41 = arith.constant 48 : i32
    %dma_start3A_42 = arith.constant 0 : i32
    %dma_start3A_43 = tpu.memref_slice %arg6[%dma_start3A_41, %dma_start3A_42] : memref<64x768xf32, #tpu.memory_space<vmem>> -> memref<16x768xf32, #tpu.memory_space<vmem>>
    %dma_start3A_44 = arith.constant 0 : i32
    %dma_start3A_45 = tpu.memref_slice %arg5[%dma_start3A_39, %dma_start3A_44] : memref<4x16xi32, #tpu.memory_space<vmem>> -> memref<1x16xi32, #tpu.memory_space<vmem>>
    %dma_start3A_46 = tpu.memref_squeeze %dma_start3A_45 : memref<1x16xi32, #tpu.memory_space<vmem>> -> memref<16xi32, #tpu.memory_space<vmem>>
    %dma_start3A_47 = arith.constant 0 : i32
    %dma_start3A_48 = arith.constant 0 : i32
    %dma_start3A_49 = tpu.memref_slice %arg2[%dma_start3A_47, %dma_start3A_48] : memref<6144x768xf32, #tpu.memory_space<hbm>> -> memref<6144x768xf32, #tpu.memory_space<hbm>>
    %dma_start3A_50 = tpu.memref_slice %arg7[%dma_start3A_40] : memref<4x!tpu.dma_semaphore, #tpu.memory_space<semaphore_mem>> -> memref<1x!tpu.dma_semaphore, #tpu.memory_space<semaphore_mem>>
    %dma_start3A_51 = tpu.memref_squeeze %dma_start3A_50 : memref<1x!tpu.dma_semaphore, #tpu.memory_space<semaphore_mem>> -> memref<!tpu.dma_semaphore, #tpu.memory_space<semaphore_mem>>
    tpu.enqueue_indirect_dma source(%dma_start3A_49 : memref<6144x768xf32, #tpu.memory_space<hbm>>) target(%dma_start3A_43 : memref<16x768xf32, #tpu.memory_space<vmem>>) offsets(%dma_start3A_46 : memref<16xi32, #tpu.memory_space<vmem>>) semaphore(%dma_start3A_51 : memref<!tpu.dma_semaphore, #tpu.memory_space<semaphore_mem>>)
    %dma_wait3A = arith.constant 0 : i32
    %dma_wait3A_52 = arith.constant 0 : i32
    %dma_wait3A_53 = arith.constant 0 : i32
    %dma_wait3A_54 = arith.constant 0 : i32
    %dma_wait3A_55 = tpu.memref_slice %arg6[%dma_wait3A_53, %dma_wait3A_54] : memref<64x768xf32, #tpu.memory_space<vmem>> -> memref<16x768xf32, #tpu.memory_space<vmem>>
    %dma_wait3A_56 = arith.constant 0 : i32
    %dma_wait3A_57 = tpu.memref_slice %arg5[%dma_wait3A, %dma_wait3A_56] : memref<4x16xi32, #tpu.memory_space<vmem>> -> memref<1x16xi32, #tpu.memory_space<vmem>>
    %dma_wait3A_58 = tpu.memref_squeeze %dma_wait3A_57 : memref<1x16xi32, #tpu.memory_space<vmem>> -> memref<16xi32, #tpu.memory_space<vmem>>
    %dma_wait3A_59 = arith.constant 0 : i32
    %dma_wait3A_60 = arith.constant 0 : i32
    %dma_wait3A_61 = tpu.memref_slice %arg2[%dma_wait3A_59, %dma_wait3A_60] : memref<6144x768xf32, #tpu.memory_space<hbm>> -> memref<6144x768xf32, #tpu.memory_space<hbm>>
    %dma_wait3A_62 = tpu.memref_slice %arg7[%dma_wait3A_52] : memref<4x!tpu.dma_semaphore, #tpu.memory_space<semaphore_mem>> -> memref<1x!tpu.dma_semaphore, #tpu.memory_space<semaphore_mem>>
    %dma_wait3A_63 = tpu.memref_squeeze %dma_wait3A_62 : memref<1x!tpu.dma_semaphore, #tpu.memory_space<semaphore_mem>> -> memref<!tpu.dma_semaphore, #tpu.memory_space<semaphore_mem>>
    tpu.wait_indirect_dma semaphore(%dma_wait3A_63 : memref<!tpu.dma_semaphore, #tpu.memory_space<semaphore_mem>>) src(%dma_wait3A_61 : memref<6144x768xf32, #tpu.memory_space<hbm>>) dst(%dma_wait3A_55 : memref<16x768xf32, #tpu.memory_space<vmem>>)
    %mul3A_64 = arith.constant 64 : i32
    %mul3A_65 = arith.muli %add3A, %mul3A_64 : i32
    %add3A_66 = arith.constant 0 : i32
    %add3A_67 = arith.addi %mul3A_65, %add3A_66 : i32
    %dma_start3A_68 = arith.constant 0 : i32
    %dma_start3A_69 = arith.constant 0 : i32
    %dma_start3A_70 = arith.constant 0 : i32
    %dma_start3A_71 = tpu.memref_slice %arg6[%dma_start3A_69, %dma_start3A_70] : memref<64x768xf32, #tpu.memory_space<vmem>> -> memref<16x768xf32, #tpu.memory_space<vmem>>
    %dma_start3A_72 = arith.constant 0 : i32
    %dma_start3A_73 = tpu.memref_slice %arg4[%add3A_67, %dma_start3A_72] : memref<2048x768xf32, #tpu.memory_space<hbm>> -> memref<16x768xf32, #tpu.memory_space<hbm>>
    %dma_start3A_74 = tpu.memref_slice %arg8[%dma_start3A_68] : memref<4x!tpu.dma_semaphore, #tpu.memory_space<semaphore_mem>> -> memref<1x!tpu.dma_semaphore, #tpu.memory_space<semaphore_mem>>
    %dma_start3A_75 = tpu.memref_squeeze %dma_start3A_74 : memref<1x!tpu.dma_semaphore, #tpu.memory_space<semaphore_mem>> -> memref<!tpu.dma_semaphore, #tpu.memory_space<semaphore_mem>>
    %dma_start3A_76 = arith.constant 0 : i32
    %dma_start3A_77 = tpu.memref_slice %arg4[%add3A_67, %dma_start3A_76] : memref<2048x768xf32, #tpu.memory_space<hbm>> -> memref<16x768xf32, #tpu.memory_space<hbm>>
    %dma_start3A_78 = arith.constant 0 : i32
    %dma_start3A_79 = arith.constant 0 : i32
    %dma_start3A_80 = tpu.memref_slice %arg6[%dma_start3A_78, %dma_start3A_79] : memref<64x768xf32, #tpu.memory_space<vmem>> -> memref<16x768xf32, #tpu.memory_space<vmem>>
    tpu.enqueue_dma source(%dma_start3A_80 : memref<16x768xf32, #tpu.memory_space<vmem>>) target(%dma_start3A_77 : memref<16x768xf32, #tpu.memory_space<hbm>>) target_semaphore(%dma_start3A_75 : memref<!tpu.dma_semaphore, #tpu.memory_space<semaphore_mem>>)
    %dma_wait3A_81 = arith.constant 1 : i32
    %dma_wait3A_82 = arith.constant 1 : i32
    %dma_wait3A_83 = arith.constant 16 : i32
    %dma_wait3A_84 = arith.constant 0 : i32
    %dma_wait3A_85 = tpu.memref_slice %arg6[%dma_wait3A_83, %dma_wait3A_84] : memref<64x768xf32, #tpu.memory_space<vmem>> -> memref<16x768xf32, #tpu.memory_space<vmem>>
    %dma_wait3A_86 = arith.constant 0 : i32
    %dma_wait3A_87 = tpu.memref_slice %arg5[%dma_wait3A_81, %dma_wait3A_86] : memref<4x16xi32, #tpu.memory_space<vmem>> -> memref<1x16xi32, #tpu.memory_space<vmem>>
    %dma_wait3A_88 = tpu.memref_squeeze %dma_wait3A_87 : memref<1x16xi32, #tpu.memory_space<vmem>> -> memref<16xi32, #tpu.memory_space<vmem>>
    %dma_wait3A_89 = arith.constant 0 : i32
    %dma_wait3A_90 = arith.constant 0 : i32
    %dma_wait3A_91 = tpu.memref_slice %arg2[%dma_wait3A_89, %dma_wait3A_90] : memref<6144x768xf32, #tpu.memory_space<hbm>> -> memref<6144x768xf32, #tpu.memory_space<hbm>>
    %dma_wait3A_92 = tpu.memref_slice %arg7[%dma_wait3A_82] : memref<4x!tpu.dma_semaphore, #tpu.memory_space<semaphore_mem>> -> memref<1x!tpu.dma_semaphore, #tpu.memory_space<semaphore_mem>>
    %dma_wait3A_93 = tpu.memref_squeeze %dma_wait3A_92 : memref<1x!tpu.dma_semaphore, #tpu.memory_space<semaphore_mem>> -> memref<!tpu.dma_semaphore, #tpu.memory_space<semaphore_mem>>
    tpu.wait_indirect_dma semaphore(%dma_wait3A_93 : memref<!tpu.dma_semaphore, #tpu.memory_space<semaphore_mem>>) src(%dma_wait3A_91 : memref<6144x768xf32, #tpu.memory_space<hbm>>) dst(%dma_wait3A_85 : memref<16x768xf32, #tpu.memory_space<vmem>>)
    %mul3A_94 = arith.constant 64 : i32
    %mul3A_95 = arith.muli %add3A, %mul3A_94 : i32
    %add3A_96 = arith.constant 16 : i32
    %add3A_97 = arith.addi %mul3A_95, %add3A_96 : i32
    %dma_start3A_98 = arith.constant 1 : i32
    %dma_start3A_99 = arith.constant 16 : i32
    %dma_start3A_100 = arith.constant 0 : i32
    %dma_start3A_101 = tpu.memref_slice %arg6[%dma_start3A_99, %dma_start3A_100] : memref<64x768xf32, #tpu.memory_space<vmem>> -> memref<16x768xf32, #tpu.memory_space<vmem>>
    %dma_start3A_102 = arith.constant 0 : i32
    %dma_start3A_103 = tpu.memref_slice %arg4[%add3A_97, %dma_start3A_102] : memref<2048x768xf32, #tpu.memory_space<hbm>> -> memref<16x768xf32, #tpu.memory_space<hbm>>
    %dma_start3A_104 = tpu.memref_slice %arg8[%dma_start3A_98] : memref<4x!tpu.dma_semaphore, #tpu.memory_space<semaphore_mem>> -> memref<1x!tpu.dma_semaphore, #tpu.memory_space<semaphore_mem>>
    %dma_start3A_105 = tpu.memref_squeeze %dma_start3A_104 : memref<1x!tpu.dma_semaphore, #tpu.memory_space<semaphore_mem>> -> memref<!tpu.dma_semaphore, #tpu.memory_space<semaphore_mem>>
    %dma_start3A_106 = arith.constant 0 : i32
    %dma_start3A_107 = tpu.memref_slice %arg4[%add3A_97, %dma_start3A_106] : memref<2048x768xf32, #tpu.memory_space<hbm>> -> memref<16x768xf32, #tpu.memory_space<hbm>>
    %dma_start3A_108 = arith.constant 16 : i32
    %dma_start3A_109 = arith.constant 0 : i32
    %dma_start3A_110 = tpu.memref_slice %arg6[%dma_start3A_108, %dma_start3A_109] : memref<64x768xf32, #tpu.memory_space<vmem>> -> memref<16x768xf32, #tpu.memory_space<vmem>>
    tpu.enqueue_dma source(%dma_start3A_110 : memref<16x768xf32, #tpu.memory_space<vmem>>) target(%dma_start3A_107 : memref<16x768xf32, #tpu.memory_space<hbm>>) target_semaphore(%dma_start3A_105 : memref<!tpu.dma_semaphore, #tpu.memory_space<semaphore_mem>>)
    %dma_wait3A_111 = arith.constant 2 : i32
    %dma_wait3A_112 = arith.constant 2 : i32
    %dma_wait3A_113 = arith.constant 32 : i32
    %dma_wait3A_114 = arith.constant 0 : i32
    %dma_wait3A_115 = tpu.memref_slice %arg6[%dma_wait3A_113, %dma_wait3A_114] : memref<64x768xf32, #tpu.memory_space<vmem>> -> memref<16x768xf32, #tpu.memory_space<vmem>>
    %dma_wait3A_116 = arith.constant 0 : i32
    %dma_wait3A_117 = tpu.memref_slice %arg5[%dma_wait3A_111, %dma_wait3A_116] : memref<4x16xi32, #tpu.memory_space<vmem>> -> memref<1x16xi32, #tpu.memory_space<vmem>>
    %dma_wait3A_118 = tpu.memref_squeeze %dma_wait3A_117 : memref<1x16xi32, #tpu.memory_space<vmem>> -> memref<16xi32, #tpu.memory_space<vmem>>
    %dma_wait3A_119 = arith.constant 0 : i32
    %dma_wait3A_120 = arith.constant 0 : i32
    %dma_wait3A_121 = tpu.memref_slice %arg2[%dma_wait3A_119, %dma_wait3A_120] : memref<6144x768xf32, #tpu.memory_space<hbm>> -> memref<6144x768xf32, #tpu.memory_space<hbm>>
    %dma_wait3A_122 = tpu.memref_slice %arg7[%dma_wait3A_112] : memref<4x!tpu.dma_semaphore, #tpu.memory_space<semaphore_mem>> -> memref<1x!tpu.dma_semaphore, #tpu.memory_space<semaphore_mem>>
    %dma_wait3A_123 = tpu.memref_squeeze %dma_wait3A_122 : memref<1x!tpu.dma_semaphore, #tpu.memory_space<semaphore_mem>> -> memref<!tpu.dma_semaphore, #tpu.memory_space<semaphore_mem>>
    tpu.wait_indirect_dma semaphore(%dma_wait3A_123 : memref<!tpu.dma_semaphore, #tpu.memory_space<semaphore_mem>>) src(%dma_wait3A_121 : memref<6144x768xf32, #tpu.memory_space<hbm>>) dst(%dma_wait3A_115 : memref<16x768xf32, #tpu.memory_space<vmem>>)
    %mul3A_124 = arith.constant 64 : i32
    %mul3A_125 = arith.muli %add3A, %mul3A_124 : i32
    %add3A_126 = arith.constant 32 : i32
    %add3A_127 = arith.addi %mul3A_125, %add3A_126 : i32
    %dma_start3A_128 = arith.constant 2 : i32
    %dma_start3A_129 = arith.constant 32 : i32
    %dma_start3A_130 = arith.constant 0 : i32
    %dma_start3A_131 = tpu.memref_slice %arg6[%dma_start3A_129, %dma_start3A_130] : memref<64x768xf32, #tpu.memory_space<vmem>> -> memref<16x768xf32, #tpu.memory_space<vmem>>
    %dma_start3A_132 = arith.constant 0 : i32
    %dma_start3A_133 = tpu.memref_slice %arg4[%add3A_127, %dma_start3A_132] : memref<2048x768xf32, #tpu.memory_space<hbm>> -> memref<16x768xf32, #tpu.memory_space<hbm>>
    %dma_start3A_134 = tpu.memref_slice %arg8[%dma_start3A_128] : memref<4x!tpu.dma_semaphore, #tpu.memory_space<semaphore_mem>> -> memref<1x!tpu.dma_semaphore, #tpu.memory_space<semaphore_mem>>
    %dma_start3A_135 = tpu.memref_squeeze %dma_start3A_134 : memref<1x!tpu.dma_semaphore, #tpu.memory_space<semaphore_mem>> -> memref<!tpu.dma_semaphore, #tpu.memory_space<semaphore_mem>>
    %dma_start3A_136 = arith.constant 0 : i32
    %dma_start3A_137 = tpu.memref_slice %arg4[%add3A_127, %dma_start3A_136] : memref<2048x768xf32, #tpu.memory_space<hbm>> -> memref<16x768xf32, #tpu.memory_space<hbm>>
    %dma_start3A_138 = arith.constant 32 : i32
    %dma_start3A_139 = arith.constant 0 : i32
    %dma_start3A_140 = tpu.memref_slice %arg6[%dma_start3A_138, %dma_start3A_139] : memref<64x768xf32, #tpu.memory_space<vmem>> -> memref<16x768xf32, #tpu.memory_space<vmem>>
    tpu.enqueue_dma source(%dma_start3A_140 : memref<16x768xf32, #tpu.memory_space<vmem>>) target(%dma_start3A_137 : memref<16x768xf32, #tpu.memory_space<hbm>>) target_semaphore(%dma_start3A_135 : memref<!tpu.dma_semaphore, #tpu.memory_space<semaphore_mem>>)
    %dma_wait3A_141 = arith.constant 3 : i32
    %dma_wait3A_142 = arith.constant 3 : i32
    %dma_wait3A_143 = arith.constant 48 : i32
    %dma_wait3A_144 = arith.constant 0 : i32
    %dma_wait3A_145 = tpu.memref_slice %arg6[%dma_wait3A_143, %dma_wait3A_144] : memref<64x768xf32, #tpu.memory_space<vmem>> -> memref<16x768xf32, #tpu.memory_space<vmem>>
    %dma_wait3A_146 = arith.constant 0 : i32
    %dma_wait3A_147 = tpu.memref_slice %arg5[%dma_wait3A_141, %dma_wait3A_146] : memref<4x16xi32, #tpu.memory_space<vmem>> -> memref<1x16xi32, #tpu.memory_space<vmem>>
    %dma_wait3A_148 = tpu.memref_squeeze %dma_wait3A_147 : memref<1x16xi32, #tpu.memory_space<vmem>> -> memref<16xi32, #tpu.memory_space<vmem>>
    %dma_wait3A_149 = arith.constant 0 : i32
    %dma_wait3A_150 = arith.constant 0 : i32
    %dma_wait3A_151 = tpu.memref_slice %arg2[%dma_wait3A_149, %dma_wait3A_150] : memref<6144x768xf32, #tpu.memory_space<hbm>> -> memref<6144x768xf32, #tpu.memory_space<hbm>>
    %dma_wait3A_152 = tpu.memref_slice %arg7[%dma_wait3A_142] : memref<4x!tpu.dma_semaphore, #tpu.memory_space<semaphore_mem>> -> memref<1x!tpu.dma_semaphore, #tpu.memory_space<semaphore_mem>>
    %dma_wait3A_153 = tpu.memref_squeeze %dma_wait3A_152 : memref<1x!tpu.dma_semaphore, #tpu.memory_space<semaphore_mem>> -> memref<!tpu.dma_semaphore, #tpu.memory_space<semaphore_mem>>
    tpu.wait_indirect_dma semaphore(%dma_wait3A_153 : memref<!tpu.dma_semaphore, #tpu.memory_space<semaphore_mem>>) src(%dma_wait3A_151 : memref<6144x768xf32, #tpu.memory_space<hbm>>) dst(%dma_wait3A_145 : memref<16x768xf32, #tpu.memory_space<vmem>>)
    %mul3A_154 = arith.constant 64 : i32
    %mul3A_155 = arith.muli %add3A, %mul3A_154 : i32
    %add3A_156 = arith.constant 48 : i32
    %add3A_157 = arith.addi %mul3A_155, %add3A_156 : i32
    %dma_start3A_158 = arith.constant 3 : i32
    %dma_start3A_159 = arith.constant 48 : i32
    %dma_start3A_160 = arith.constant 0 : i32
    %dma_start3A_161 = tpu.memref_slice %arg6[%dma_start3A_159, %dma_start3A_160] : memref<64x768xf32, #tpu.memory_space<vmem>> -> memref<16x768xf32, #tpu.memory_space<vmem>>
    %dma_start3A_162 = arith.constant 0 : i32
    %dma_start3A_163 = tpu.memref_slice %arg4[%add3A_157, %dma_start3A_162] : memref<2048x768xf32, #tpu.memory_space<hbm>> -> memref<16x768xf32, #tpu.memory_space<hbm>>
    %dma_start3A_164 = tpu.memref_slice %arg8[%dma_start3A_158] : memref<4x!tpu.dma_semaphore, #tpu.memory_space<semaphore_mem>> -> memref<1x!tpu.dma_semaphore, #tpu.memory_space<semaphore_mem>>
    %dma_start3A_165 = tpu.memref_squeeze %dma_start3A_164 : memref<1x!tpu.dma_semaphore, #tpu.memory_space<semaphore_mem>> -> memref<!tpu.dma_semaphore, #tpu.memory_space<semaphore_mem>>
    %dma_start3A_166 = arith.constant 0 : i32
    %dma_start3A_167 = tpu.memref_slice %arg4[%add3A_157, %dma_start3A_166] : memref<2048x768xf32, #tpu.memory_space<hbm>> -> memref<16x768xf32, #tpu.memory_space<hbm>>
    %dma_start3A_168 = arith.constant 48 : i32
    %dma_start3A_169 = arith.constant 0 : i32
    %dma_start3A_170 = tpu.memref_slice %arg6[%dma_start3A_168, %dma_start3A_169] : memref<64x768xf32, #tpu.memory_space<vmem>> -> memref<16x768xf32, #tpu.memory_space<vmem>>
    tpu.enqueue_dma source(%dma_start3A_170 : memref<16x768xf32, #tpu.memory_space<vmem>>) target(%dma_start3A_167 : memref<16x768xf32, #tpu.memory_space<hbm>>) target_semaphore(%dma_start3A_165 : memref<!tpu.dma_semaphore, #tpu.memory_space<semaphore_mem>>)
    %dma_wait3A_171 = arith.constant 0 : i32
    %dma_wait3A_172 = arith.constant 0 : i32
    %dma_wait3A_173 = arith.constant 0 : i32
    %dma_wait3A_174 = tpu.memref_slice %arg6[%dma_wait3A_172, %dma_wait3A_173] : memref<64x768xf32, #tpu.memory_space<vmem>> -> memref<16x768xf32, #tpu.memory_space<vmem>>
    %dma_wait3A_175 = arith.constant 0 : i32
    %dma_wait3A_176 = tpu.memref_slice %arg4[%add3A_67, %dma_wait3A_175] : memref<2048x768xf32, #tpu.memory_space<hbm>> -> memref<16x768xf32, #tpu.memory_space<hbm>>
    %dma_wait3A_177 = tpu.memref_slice %arg8[%dma_wait3A_171] : memref<4x!tpu.dma_semaphore, #tpu.memory_space<semaphore_mem>> -> memref<1x!tpu.dma_semaphore, #tpu.memory_space<semaphore_mem>>
    %dma_wait3A_178 = tpu.memref_squeeze %dma_wait3A_177 : memref<1x!tpu.dma_semaphore, #tpu.memory_space<semaphore_mem>> -> memref<!tpu.dma_semaphore, #tpu.memory_space<semaphore_mem>>
    %dma_wait3A_179 = arith.constant 0 : i32
    %dma_wait3A_180 = tpu.memref_slice %arg4[%add3A_67, %dma_wait3A_179] : memref<2048x768xf32, #tpu.memory_space<hbm>> -> memref<16x768xf32, #tpu.memory_space<hbm>>
    %dma_wait3A_181 = arith.constant 0 : i32
    %dma_wait3A_182 = arith.constant 0 : i32
    %dma_wait3A_183 = tpu.memref_slice %arg6[%dma_wait3A_181, %dma_wait3A_182] : memref<64x768xf32, #tpu.memory_space<vmem>> -> memref<16x768xf32, #tpu.memory_space<vmem>>
    tpu.wait_dma2 semaphore(%dma_wait3A_178 : memref<!tpu.dma_semaphore, #tpu.memory_space<semaphore_mem>>) src(%dma_wait3A_183 : memref<16x768xf32, #tpu.memory_space<vmem>>) dst(%dma_wait3A_180 : memref<16x768xf32, #tpu.memory_space<hbm>>)
    %dma_wait3A_184 = arith.constant 1 : i32
    %dma_wait3A_185 = arith.constant 16 : i32
    %dma_wait3A_186 = arith.constant 0 : i32
    %dma_wait3A_187 = tpu.memref_slice %arg6[%dma_wait3A_185, %dma_wait3A_186] : memref<64x768xf32, #tpu.memory_space<vmem>> -> memref<16x768xf32, #tpu.memory_space<vmem>>
    %dma_wait3A_188 = arith.constant 0 : i32
    %dma_wait3A_189 = tpu.memref_slice %arg4[%add3A_97, %dma_wait3A_188] : memref<2048x768xf32, #tpu.memory_space<hbm>> -> memref<16x768xf32, #tpu.memory_space<hbm>>
    %dma_wait3A_190 = tpu.memref_slice %arg8[%dma_wait3A_184] : memref<4x!tpu.dma_semaphore, #tpu.memory_space<semaphore_mem>> -> memref<1x!tpu.dma_semaphore, #tpu.memory_space<semaphore_mem>>
    %dma_wait3A_191 = tpu.memref_squeeze %dma_wait3A_190 : memref<1x!tpu.dma_semaphore, #tpu.memory_space<semaphore_mem>> -> memref<!tpu.dma_semaphore, #tpu.memory_space<semaphore_mem>>
    %dma_wait3A_192 = arith.constant 0 : i32
    %dma_wait3A_193 = tpu.memref_slice %arg4[%add3A_97, %dma_wait3A_192] : memref<2048x768xf32, #tpu.memory_space<hbm>> -> memref<16x768xf32, #tpu.memory_space<hbm>>
    %dma_wait3A_194 = arith.constant 16 : i32
    %dma_wait3A_195 = arith.constant 0 : i32
    %dma_wait3A_196 = tpu.memref_slice %arg6[%dma_wait3A_194, %dma_wait3A_195] : memref<64x768xf32, #tpu.memory_space<vmem>> -> memref<16x768xf32, #tpu.memory_space<vmem>>
    tpu.wait_dma2 semaphore(%dma_wait3A_191 : memref<!tpu.dma_semaphore, #tpu.memory_space<semaphore_mem>>) src(%dma_wait3A_196 : memref<16x768xf32, #tpu.memory_space<vmem>>) dst(%dma_wait3A_193 : memref<16x768xf32, #tpu.memory_space<hbm>>)
    %dma_wait3A_197 = arith.constant 2 : i32
    %dma_wait3A_198 = arith.constant 32 : i32
    %dma_wait3A_199 = arith.constant 0 : i32
    %dma_wait3A_200 = tpu.memref_slice %arg6[%dma_wait3A_198, %dma_wait3A_199] : memref<64x768xf32, #tpu.memory_space<vmem>> -> memref<16x768xf32, #tpu.memory_space<vmem>>
    %dma_wait3A_201 = arith.constant 0 : i32
    %dma_wait3A_202 = tpu.memref_slice %arg4[%add3A_127, %dma_wait3A_201] : memref<2048x768xf32, #tpu.memory_space<hbm>> -> memref<16x768xf32, #tpu.memory_space<hbm>>
    %dma_wait3A_203 = tpu.memref_slice %arg8[%dma_wait3A_197] : memref<4x!tpu.dma_semaphore, #tpu.memory_space<semaphore_mem>> -> memref<1x!tpu.dma_semaphore, #tpu.memory_space<semaphore_mem>>
    %dma_wait3A_204 = tpu.memref_squeeze %dma_wait3A_203 : memref<1x!tpu.dma_semaphore, #tpu.memory_space<semaphore_mem>> -> memref<!tpu.dma_semaphore, #tpu.memory_space<semaphore_mem>>
    %dma_wait3A_205 = arith.constant 0 : i32
    %dma_wait3A_206 = tpu.memref_slice %arg4[%add3A_127, %dma_wait3A_205] : memref<2048x768xf32, #tpu.memory_space<hbm>> -> memref<16x768xf32, #tpu.memory_space<hbm>>
    %dma_wait3A_207 = arith.constant 32 : i32
    %dma_wait3A_208 = arith.constant 0 : i32
    %dma_wait3A_209 = tpu.memref_slice %arg6[%dma_wait3A_207, %dma_wait3A_208] : memref<64x768xf32, #tpu.memory_space<vmem>> -> memref<16x768xf32, #tpu.memory_space<vmem>>
    tpu.wait_dma2 semaphore(%dma_wait3A_204 : memref<!tpu.dma_semaphore, #tpu.memory_space<semaphore_mem>>) src(%dma_wait3A_209 : memref<16x768xf32, #tpu.memory_space<vmem>>) dst(%dma_wait3A_206 : memref<16x768xf32, #tpu.memory_space<hbm>>)
    %dma_wait3A_210 = arith.constant 3 : i32
    %dma_wait3A_211 = arith.constant 48 : i32
    %dma_wait3A_212 = arith.constant 0 : i32
    %dma_wait3A_213 = tpu.memref_slice %arg6[%dma_wait3A_211, %dma_wait3A_212] : memref<64x768xf32, #tpu.memory_space<vmem>> -> memref<16x768xf32, #tpu.memory_space<vmem>>
    %dma_wait3A_214 = arith.constant 0 : i32
    %dma_wait3A_215 = tpu.memref_slice %arg4[%add3A_157, %dma_wait3A_214] : memref<2048x768xf32, #tpu.memory_space<hbm>> -> memref<16x768xf32, #tpu.memory_space<hbm>>
    %dma_wait3A_216 = tpu.memref_slice %arg8[%dma_wait3A_210] : memref<4x!tpu.dma_semaphore, #tpu.memory_space<semaphore_mem>> -> memref<1x!tpu.dma_semaphore, #tpu.memory_space<semaphore_mem>>
    %dma_wait3A_217 = tpu.memref_squeeze %dma_wait3A_216 : memref<1x!tpu.dma_semaphore, #tpu.memory_space<semaphore_mem>> -> memref<!tpu.dma_semaphore, #tpu.memory_space<semaphore_mem>>
    %dma_wait3A_218 = arith.constant 0 : i32
    %dma_wait3A_219 = tpu.memref_slice %arg4[%add3A_157, %dma_wait3A_218] : memref<2048x768xf32, #tpu.memory_space<hbm>> -> memref<16x768xf32, #tpu.memory_space<hbm>>
    %dma_wait3A_220 = arith.constant 48 : i32
    %dma_wait3A_221 = arith.constant 0 : i32
    %dma_wait3A_222 = tpu.memref_slice %arg6[%dma_wait3A_220, %dma_wait3A_221] : memref<64x768xf32, #tpu.memory_space<vmem>> -> memref<16x768xf32, #tpu.memory_space<vmem>>
    tpu.wait_dma2 semaphore(%dma_wait3A_217 : memref<!tpu.dma_semaphore, #tpu.memory_space<semaphore_mem>>) src(%dma_wait3A_222 : memref<16x768xf32, #tpu.memory_space<vmem>>) dst(%dma_wait3A_219 : memref<16x768xf32, #tpu.memory_space<hbm>>)
    return
  }
}

module attributes {stable_mosaic.version = 14 : i64} {
  func.func @_router_body(%arg0: memref<2048x768xf32, #tpu.memory_space<vmem>>, %arg1: memref<64x768xf32, #tpu.memory_space<vmem>>, %arg2: memref<2048x1xi32, #tpu.memory_space<vmem>>, %arg3: memref<96x1xi32, #tpu.memory_space<vmem>>, %arg4: memref<96x1xi32, #tpu.memory_space<vmem>>, %arg5: memref<96x1xi32, #tpu.memory_space<vmem>>, %arg6: memref<8x1xi32, #tpu.memory_space<vmem>>, %arg7: memref<1x1xi32, #tpu.memory_space<vmem>>, %arg8: memref<2048x64xf32, #tpu.memory_space<vmem>>, %arg9: memref<2048x64xf32, #tpu.memory_space<vmem>>) attributes {dimension_semantics = [], scalar_prefetch = 0 : i64, scratch_operands = 2 : i64, tpu.core_type = #tpu.core_type<tc>} {
    %get3A = arith.constant 0 : index
    %get3A_0 = arith.constant 0 : index
    %get3A_1 = vector.load %arg0[%get3A, %get3A_0] : memref<2048x768xf32, #tpu.memory_space<vmem>>, vector<2048x768xf32>
    %get3A_2 = arith.constant 0 : index
    %get3A_3 = arith.constant 0 : index
    %get3A_4 = vector.load %arg1[%get3A_2, %get3A_3] : memref<64x768xf32, #tpu.memory_space<vmem>>, vector<64x768xf32>
    %dot_general3A = arith.constant dense<0.000000e+00> : vector<2048x64xf32>
    %dot_general3A_5 = tpu.matmul %get3A_1, %get3A_4, %dot_general3A {dimension_numbers = #tpu.dot_dimension_numbers<[1], [1], [0], [0], [0, 0, 1, 0], [], []>, transpose_lhs_hint = false} : vector<2048x768xf32>, vector<64x768xf32>, vector<2048x64xf32> -> vector<2048x64xf32>
    %reduce_max3A = arith.constant dense<0xFF800000> : vector<2048xf32>
    %reduce_max3A_6 = vector.multi_reduction <maximumf>, %dot_general3A_5, %reduce_max3A [1] : vector<2048x64xf32> to vector<2048xf32>
    %broadcast_in_dim3A = vector.shape_cast %reduce_max3A_6 : vector<2048xf32> to vector<2048x1xf32>
    %iota3A = tpu.iota {dimensions = array<i32: 1>} : vector<2048x64xi32>
    %ge3A = vector.broadcast %broadcast_in_dim3A : vector<2048x1xf32> to vector<2048x64xf32>
    %ge3A_7 = arith.cmpf oge, %dot_general3A_5, %ge3A : vector<2048x64xf32>
    %jit3A = arith.constant 64 : i32
    %broadcast_in_dim3A_8 = vector.broadcast %jit3A : i32 to vector<2048x64xi32>
    %select_n3A = arith.select %ge3A_7, %iota3A, %broadcast_in_dim3A_8 : vector<2048x64xi1>, vector<2048x64xi32>
    %reduce_min3A = arith.constant dense<2147483647> : vector<2048xi32>
    %reduce_min3A_9 = vector.multi_reduction <minsi>, %select_n3A, %reduce_min3A [1] : vector<2048x64xi32> to vector<2048xi32>
    %broadcast_in_dim3A_10 = vector.shape_cast %reduce_min3A_9 : vector<2048xi32> to vector<2048x1xi32>
    %eq3A = vector.broadcast %broadcast_in_dim3A_10 : vector<2048x1xi32> to vector<2048x64xi32>
    %eq3A_11 = arith.cmpi eq, %iota3A, %eq3A : vector<2048x64xi32>
    %convert_element_type3A = arith.extui %eq3A_11 : vector<2048x64xi1> to vector<2048x64xi32>
    %convert_element_type3A_12 = arith.sitofp %convert_element_type3A : vector<2048x64xi32> to vector<2048x64xf32>
    %swap3A = arith.constant 0 : index
    %swap3A_13 = arith.constant 0 : index
    %swap3A_14 = vector.load %arg8[%swap3A, %swap3A_13] : memref<2048x64xf32, #tpu.memory_space<vmem>>, vector<2048x64xf32>
    tpu.vector_store %arg8[%swap3A, %swap3A_13], %convert_element_type3A_12 {strides = array<i32>} : memref<2048x64xf32, #tpu.memory_space<vmem>>, vector<2048x64xf32>,
    %iota3A_15 = tpu.iota {dimensions = array<i32: 0>} : vector<512x512xi32>
    %iota3A_16 = tpu.iota {dimensions = array<i32: 1>} : vector<512x512xi32>
    %lt3A = arith.cmpi slt, %iota3A_16, %iota3A_15 : vector<512x512xi32>
    %convert_element_type3A_17 = arith.extui %lt3A : vector<512x512xi1> to vector<512x512xi32>
    %convert_element_type3A_18 = arith.sitofp %convert_element_type3A_17 : vector<512x512xi32> to vector<512x512xf32>
    %broadcast_in_dim3A_19 = arith.constant 0.000000e+00 : f32
    %broadcast_in_dim3A_20 = vector.broadcast %broadcast_in_dim3A_19 : f32 to vector<1x64xf32>
    %scan3A = arith.constant 0 : i32
    %scan3A_21 = arith.constant 4 : i32
    %scan3A_22 = arith.addi %scan3A, %scan3A_21 : i32
    %scan3A_23 = arith.constant 1 : i32
    %scan3A_24 = scf.for %scan3A_164 = %scan3A to %scan3A_22 step %scan3A_23 iter_args(%scan3A_165 = %broadcast_in_dim3A_20) -> (vector<1x64xf32>)  : i32 {
      %mul3A_166 = arith.constant 512 : i32
      %mul3A_167 = arith.muli %scan3A_164, %mul3A_166 : i32
      %get3A_168 = arith.index_cast %mul3A_167 : i32 to index
      %get3A_169 = arith.constant 0 : index
      %get3A_170 = vector.load %arg8[%get3A_168, %get3A_169] : memref<2048x64xf32, #tpu.memory_space<vmem>>, vector<512x64xf32>
      %dot_general3A_171 = arith.constant dense<0.000000e+00> : vector<512x64xf32>
      %dot_general3A_172 = tpu.matmul %convert_element_type3A_18, %get3A_170, %dot_general3A_171 {dimension_numbers = #tpu.dot_dimension_numbers<[1], [0], [0], [1], [0, 0, 1, 1], [], []>, transpose_lhs_hint = false} : vector<512x512xf32>, vector<512x64xf32>, vector<512x64xf32> -> vector<512x64xf32>
      %add3A_173 = vector.broadcast %scan3A_165 : vector<1x64xf32> to vector<512x64xf32>
      %add3A_174 = arith.addf %dot_general3A_172, %add3A_173 : vector<512x64xf32>
      %mul3A_175 = arith.constant 512 : i32
      %mul3A_176 = arith.muli %scan3A_164, %mul3A_175 : i32
      %swap3A_177 = arith.index_cast %mul3A_176 : i32 to index
      %swap3A_178 = arith.constant 0 : index
      %swap3A_179 = vector.load %arg9[%swap3A_177, %swap3A_178] : memref<2048x64xf32, #tpu.memory_space<vmem>>, vector<512x64xf32>
      tpu.vector_store %arg9[%swap3A_177, %swap3A_178], %add3A_174 {strides = array<i32>} : memref<2048x64xf32, #tpu.memory_space<vmem>>, vector<512x64xf32>,
      %reduce_sum3A_180 = arith.constant dense<0.000000e+00> : vector<64xf32>
      %reduce_sum3A_181 = vector.multi_reduction <add>, %get3A_170, %reduce_sum3A_180 [0] : vector<512x64xf32> to vector<64xf32>
      %broadcast_in_dim3A_182 = vector.shape_cast %reduce_sum3A_181 : vector<64xf32> to vector<1x64xf32>
      %add3A_183 = arith.addf %scan3A_165, %broadcast_in_dim3A_182 : vector<1x64xf32>
      scf.yield %add3A_183 : vector<1x64xf32>
    }
    %scan3A_25 = arith.constant 4 : i32
    %add3A = arith.constant 6.300000e+01 : f32
    %add3A_26 = vector.broadcast %add3A : f32 to vector<1x64xf32>
    %add3A_27 = arith.addf %scan3A_24, %add3A_26 : vector<1x64xf32>
    %mul3A = arith.constant 1.562500e-02 : f32
    %mul3A_28 = vector.broadcast %mul3A : f32 to vector<1x64xf32>
    %mul3A_29 = arith.mulf %add3A_27, %mul3A_28 : vector<1x64xf32>
    %floor3A = math.floor %mul3A_29 : vector<1x64xf32>
    %iota3A_30 = tpu.iota {dimensions = array<i32: 0>} : vector<64x64xi32>
    %iota3A_31 = tpu.iota {dimensions = array<i32: 1>} : vector<64x64xi32>
    %le3A = arith.cmpi sle, %iota3A_30, %iota3A_31 : vector<64x64xi32>
    %convert_element_type3A_32 = arith.extui %le3A : vector<64x64xi1> to vector<64x64xi32>
    %convert_element_type3A_33 = arith.sitofp %convert_element_type3A_32 : vector<64x64xi32> to vector<64x64xf32>
    %dot_general3A_34 = arith.constant dense<0.000000e+00> : vector<1x64xf32>
    %dot_general3A_35 = tpu.matmul %floor3A, %convert_element_type3A_33, %dot_general3A_34 {dimension_numbers = #tpu.dot_dimension_numbers<[1], [0], [0], [1], [0, 0, 1, 1], [], []>, transpose_lhs_hint = false} : vector<1x64xf32>, vector<64x64xf32>, vector<1x64xf32> -> vector<1x64xf32>
    %sub3A = arith.subf %dot_general3A_35, %floor3A : vector<1x64xf32>
    %mul3A_36 = arith.constant 6.400000e+01 : f32
    %mul3A_37 = vector.broadcast %mul3A_36 : f32 to vector<1x64xf32>
    %mul3A_38 = arith.mulf %sub3A, %mul3A_37 : vector<1x64xf32>
    %get3A_39 = arith.constant 0 : index
    %get3A_40 = arith.constant 0 : index
    %get3A_41 = vector.load %arg8[%get3A_39, %get3A_40] : memref<2048x64xf32, #tpu.memory_space<vmem>>, vector<2048x64xf32>
    %get3A_42 = arith.constant 0 : index
    %get3A_43 = arith.constant 0 : index
    %get3A_44 = vector.load %arg9[%get3A_42, %get3A_43] : memref<2048x64xf32, #tpu.memory_space<vmem>>, vector<2048x64xf32>
    %mul3A_45 = arith.mulf %get3A_44, %get3A_41 : vector<2048x64xf32>
    %reduce_sum3A = arith.constant dense<0.000000e+00> : vector<2048xf32>
    %reduce_sum3A_46 = vector.multi_reduction <add>, %mul3A_45, %reduce_sum3A [1] : vector<2048x64xf32> to vector<2048xf32>
    %broadcast_in_dim3A_47 = vector.shape_cast %reduce_sum3A_46 : vector<2048xf32> to vector<2048x1xf32>
    %mul3A_48 = vector.broadcast %mul3A_38 : vector<1x64xf32> to vector<2048x64xf32>
    %mul3A_49 = arith.mulf %get3A_41, %mul3A_48 : vector<2048x64xf32>
    %reduce_sum3A_50 = arith.constant dense<0.000000e+00> : vector<2048xf32>
    %reduce_sum3A_51 = vector.multi_reduction <add>, %mul3A_49, %reduce_sum3A_50 [1] : vector<2048x64xf32> to vector<2048xf32>
    %broadcast_in_dim3A_52 = vector.shape_cast %reduce_sum3A_51 : vector<2048xf32> to vector<2048x1xf32>
    %add3A_53 = arith.addf %broadcast_in_dim3A_47, %broadcast_in_dim3A_52 : vector<2048x1xf32>
    %convert_element_type3A_54 = arith.fptosi %add3A_53 : vector<2048x1xf32> to vector<2048x1xi32>
    %swap3A_55 = arith.constant 0 : index
    %swap3A_56 = arith.constant 0 : index
    %swap3A_57 = vector.load %arg2[%swap3A_55, %swap3A_56] : memref<2048x1xi32, #tpu.memory_space<vmem>>, vector<2048x1xi32>
    tpu.vector_store %arg2[%swap3A_55, %swap3A_56], %convert_element_type3A_54 {strides = array<i32>} : memref<2048x1xi32, #tpu.memory_space<vmem>>, vector<2048x1xi32>,
    %slice3A = vector.extract_strided_slice %dot_general3A_35 {offsets = [0, 63], sizes = [1, 1], strides = [1, 1]} : vector<1x64xf32> to vector<1x1xf32>
    %convert_element_type3A_58 = arith.fptosi %slice3A : vector<1x1xf32> to vector<1x1xi32>
    %swap3A_59 = arith.constant 0 : index
    %swap3A_60 = arith.constant 0 : index
    %swap3A_61 = vector.load %arg7[%swap3A_59, %swap3A_60] : memref<1x1xi32, #tpu.memory_space<vmem>>, vector<1x1xi32>
    tpu.vector_store %arg7[%swap3A_59, %swap3A_60], %convert_element_type3A_58 {strides = array<i32>} : memref<1x1xi32, #tpu.memory_space<vmem>>, vector<1x1xi32>,
    %iota3A_62 = tpu.iota {dimensions = array<i32: 0>} : vector<96x64xi32>
    %convert_element_type3A_63 = arith.sitofp %iota3A_62 : vector<96x64xi32> to vector<96x64xf32>
    %le3A_64 = vector.broadcast %dot_general3A_35 : vector<1x64xf32> to vector<96x64xf32>
    %le3A_65 = arith.cmpf ole, %le3A_64, %convert_element_type3A_63 : vector<96x64xf32>
    %convert_element_type3A_66 = arith.extui %le3A_65 : vector<96x64xi1> to vector<96x64xi32>
    %reduce_sum3A_67 = arith.constant dense<0> : vector<96xi32>
    %reduce_sum3A_68 = vector.multi_reduction <add>, %convert_element_type3A_66, %reduce_sum3A_67 [1] : vector<96x64xi32> to vector<96xi32>
    %broadcast_in_dim3A_69 = vector.shape_cast %reduce_sum3A_68 : vector<96xi32> to vector<96x1xi32>
    %min3A = arith.constant 63 : i32
    %min3A_70 = vector.broadcast %min3A : i32 to vector<96x1xi32>
    %min3A_71 = arith.minsi %broadcast_in_dim3A_69, %min3A_70 : vector<96x1xi32>
    %swap3A_72 = arith.constant 0 : index
    %swap3A_73 = arith.constant 0 : index
    %swap3A_74 = vector.load %arg3[%swap3A_72, %swap3A_73] : memref<96x1xi32, #tpu.memory_space<vmem>>, vector<96x1xi32>
    tpu.vector_store %arg3[%swap3A_72, %swap3A_73], %min3A_71 {strides = array<i32>} : memref<96x1xi32, #tpu.memory_space<vmem>>, vector<96x1xi32>,
    %convert_element_type3A_75 = arith.sitofp %min3A_71 : vector<96x1xi32> to vector<96x1xf32>
    %iota3A_76 = tpu.iota {dimensions = array<i32: 0>} : vector<96x96xi32>
    %iota3A_77 = tpu.iota {dimensions = array<i32: 1>} : vector<96x96xi32>
    %iota3A_78 = tpu.iota {dimensions = array<i32: 0>} : vector<96x1xi32>
    %eq3A_79 = arith.constant 0 : i32
    %eq3A_80 = vector.broadcast %eq3A_79 : i32 to vector<96x1xi32>
    %eq3A_81 = arith.cmpi eq, %iota3A_78, %eq3A_80 : vector<96x1xi32>
    %broadcast_in_dim3A_82 = arith.constant 0.000000e+00 : f32
    %broadcast_in_dim3A_83 = vector.broadcast %broadcast_in_dim3A_82 : f32 to vector<1x1xf32>
    %slice3A_84 = vector.extract_strided_slice %convert_element_type3A_75 {offsets = [1, 0], sizes = [95, 1], strides = [1, 1]} : vector<96x1xf32> to vector<95x1xf32>
    %slice3A_85 = vector.extract_strided_slice %convert_element_type3A_75 {offsets = [0, 0], sizes = [95, 1], strides = [1, 1]} : vector<96x1xf32> to vector<95x1xf32>
    %ne3A = arith.cmpf one, %slice3A_84, %slice3A_85 : vector<95x1xf32>
    %convert_element_type3A_86 = arith.extui %ne3A : vector<95x1xi1> to vector<95x1xi32>
    %convert_element_type3A_87 = arith.sitofp %convert_element_type3A_86 : vector<95x1xi32> to vector<95x1xf32>
    %concatenate3A = tpu.concatenate %broadcast_in_dim3A_83, %convert_element_type3A_87 in 0 : vector<1x1xf32>, vector<95x1xf32> -> vector<96x1xf32>
    %jit3A_88 = arith.constant 1.000000e+00 : f32
    %broadcast_in_dim3A_89 = vector.broadcast %jit3A_88 : f32 to vector<96x1xf32>
    %select_n3A_90 = arith.select %eq3A_81, %broadcast_in_dim3A_89, %concatenate3A : vector<96x1xi1>, vector<96x1xf32>
    %le3A_91 = arith.cmpi sle, %iota3A_77, %iota3A_76 : vector<96x96xi32>
    %convert_element_type3A_92 = arith.extui %le3A_91 : vector<96x96xi1> to vector<96x96xi32>
    %convert_element_type3A_93 = arith.sitofp %convert_element_type3A_92 : vector<96x96xi32> to vector<96x96xf32>
    %dot_general3A_94 = arith.constant dense<0.000000e+00> : vector<96x1xf32>
    %dot_general3A_95 = tpu.matmul %convert_element_type3A_93, %concatenate3A, %dot_general3A_94 {dimension_numbers = #tpu.dot_dimension_numbers<[1], [0], [0], [1], [0, 0, 1, 1], [], []>, transpose_lhs_hint = false} : vector<96x96xf32>, vector<96x1xf32>, vector<96x1xf32> -> vector<96x1xf32>
    %mul3A_96 = arith.constant 2.500000e-01 : f32
    %mul3A_97 = vector.broadcast %mul3A_96 : f32 to vector<96x1xf32>
    %mul3A_98 = arith.mulf %dot_general3A_95, %mul3A_97 : vector<96x1xf32>
    %floor3A_99 = math.floor %mul3A_98 : vector<96x1xf32>
    %mul3A_100 = arith.constant 4.000000e+00 : f32
    %mul3A_101 = vector.broadcast %mul3A_100 : f32 to vector<96x1xf32>
    %mul3A_102 = arith.mulf %mul3A_101, %floor3A_99 : vector<96x1xf32>
    %sub3A_103 = arith.subf %dot_general3A_95, %mul3A_102 : vector<96x1xf32>
    %convert_element_type3A_104 = arith.fptosi %sub3A_103 : vector<96x1xf32> to vector<96x1xi32>
    %swap3A_105 = arith.constant 0 : index
    %swap3A_106 = arith.constant 0 : index
    %swap3A_107 = vector.load %arg4[%swap3A_105, %swap3A_106] : memref<96x1xi32, #tpu.memory_space<vmem>>, vector<96x1xi32>
    tpu.vector_store %arg4[%swap3A_105, %swap3A_106], %convert_element_type3A_104 {strides = array<i32>} : memref<96x1xi32, #tpu.memory_space<vmem>>, vector<96x1xi32>,
    %eq3A_108 = arith.cmpi eq, %iota3A_76, %iota3A_77 : vector<96x96xi32>
    %convert_element_type3A_109 = arith.extui %eq3A_108 : vector<96x96xi1> to vector<96x96xi32>
    %convert_element_type3A_110 = arith.sitofp %convert_element_type3A_109 : vector<96x96xi32> to vector<96x96xf32>
    %dot_general3A_111 = arith.constant dense<0.000000e+00> : vector<1x96xf32>
    %dot_general3A_112 = tpu.matmul %dot_general3A_95, %convert_element_type3A_110, %dot_general3A_111 {dimension_numbers = #tpu.dot_dimension_numbers<[0], [0], [1], [1], [0, 1, 1, 1], [], []>, transpose_lhs_hint = false} : vector<96x1xf32>, vector<96x96xf32>, vector<1x96xf32> -> vector<1x96xf32>
    %dot_general3A_113 = arith.constant dense<0.000000e+00> : vector<1x96xf32>
    %dot_general3A_114 = tpu.matmul %select_n3A_90, %convert_element_type3A_110, %dot_general3A_113 {dimension_numbers = #tpu.dot_dimension_numbers<[0], [0], [1], [1], [0, 1, 1, 1], [], []>, transpose_lhs_hint = false} : vector<96x1xf32>, vector<96x96xf32>, vector<1x96xf32> -> vector<1x96xf32>
    %add3A_115 = arith.constant 3.000000e+00 : f32
    %add3A_116 = vector.broadcast %add3A_115 : f32 to vector<96x1xf32>
    %add3A_117 = arith.addf %dot_general3A_95, %add3A_116 : vector<96x1xf32>
    %eq3A_118 = vector.broadcast %dot_general3A_112 : vector<1x96xf32> to vector<96x96xf32>
    %eq3A_119 = vector.broadcast %add3A_117 : vector<96x1xf32> to vector<96x96xf32>
    %eq3A_120 = arith.cmpf oeq, %eq3A_118, %eq3A_119 : vector<96x96xf32>
    %convert_element_type3A_121 = arith.extui %eq3A_120 : vector<96x96xi1> to vector<96x96xi32>
    %convert_element_type3A_122 = arith.sitofp %convert_element_type3A_121 : vector<96x96xi32> to vector<96x96xf32>
    %mul3A_123 = vector.broadcast %dot_general3A_114 : vector<1x96xf32> to vector<96x96xf32>
    %mul3A_124 = arith.mulf %mul3A_123, %convert_element_type3A_122 : vector<96x96xf32>
    %dot_general3A_125 = arith.constant dense<0.000000e+00> : vector<96x1xf32>
    %dot_general3A_126 = tpu.matmul %mul3A_124, %convert_element_type3A_75, %dot_general3A_125 {dimension_numbers = #tpu.dot_dimension_numbers<[1], [0], [0], [1], [0, 0, 1, 1], [], []>, transpose_lhs_hint = false} : vector<96x96xf32>, vector<96x1xf32>, vector<96x1xf32> -> vector<96x1xf32>
    %broadcast_in_dim3A_127 = arith.constant 1.000000e+00 : f32
    %broadcast_in_dim3A_128 = vector.broadcast %broadcast_in_dim3A_127 : f32 to vector<96x1xf32>
    %dot_general3A_129 = arith.constant dense<0.000000e+00> : vector<96x1xf32>
    %dot_general3A_130 = tpu.matmul %mul3A_124, %broadcast_in_dim3A_128, %dot_general3A_129 {dimension_numbers = #tpu.dot_dimension_numbers<[1], [0], [0], [1], [0, 0, 1, 1], [], []>, transpose_lhs_hint = false} : vector<96x96xf32>, vector<96x1xf32>, vector<96x1xf32> -> vector<96x1xf32>
    %gt3A = arith.constant 0.000000e+00 : f32
    %gt3A_131 = vector.broadcast %gt3A : f32 to vector<96x1xf32>
    %gt3A_132 = arith.cmpf ogt, %dot_general3A_130, %gt3A_131 : vector<96x1xf32>
    %jit3A_133 = arith.constant -1.000000e+00 : f32
    %broadcast_in_dim3A_134 = vector.broadcast %jit3A_133 : f32 to vector<96x1xf32>
    %select_n3A_135 = arith.select %gt3A_132, %dot_general3A_126, %broadcast_in_dim3A_134 : vector<96x1xi1>, vector<96x1xf32>
    %convert_element_type3A_136 = arith.fptosi %select_n3A_135 : vector<96x1xf32> to vector<96x1xi32>
    %swap3A_137 = arith.constant 0 : index
    %swap3A_138 = arith.constant 0 : index
    %swap3A_139 = vector.load %arg5[%swap3A_137, %swap3A_138] : memref<96x1xi32, #tpu.memory_space<vmem>>, vector<96x1xi32>
    tpu.vector_store %arg5[%swap3A_137, %swap3A_138], %convert_element_type3A_136 {strides = array<i32>} : memref<96x1xi32, #tpu.memory_space<vmem>>, vector<96x1xi32>,
    %iota3A_140 = tpu.iota {dimensions = array<i32: 0>} : vector<8x96xi32>
    %convert_element_type3A_141 = arith.sitofp %iota3A_140 : vector<8x96xi32> to vector<8x96xf32>
    %eq3A_142 = vector.broadcast %dot_general3A_112 : vector<1x96xf32> to vector<8x96xf32>
    %eq3A_143 = arith.cmpf oeq, %eq3A_142, %convert_element_type3A_141 : vector<8x96xf32>
    %convert_element_type3A_144 = arith.extui %eq3A_143 : vector<8x96xi1> to vector<8x96xi32>
    %convert_element_type3A_145 = arith.sitofp %convert_element_type3A_144 : vector<8x96xi32> to vector<8x96xf32>
    %mul3A_146 = vector.broadcast %dot_general3A_114 : vector<1x96xf32> to vector<8x96xf32>
    %mul3A_147 = arith.mulf %mul3A_146, %convert_element_type3A_145 : vector<8x96xf32>
    %dot_general3A_148 = arith.constant dense<0.000000e+00> : vector<8x1xf32>
    %dot_general3A_149 = tpu.matmul %mul3A_147, %convert_element_type3A_75, %dot_general3A_148 {dimension_numbers = #tpu.dot_dimension_numbers<[1], [0], [0], [1], [0, 0, 1, 1], [], []>, transpose_lhs_hint = false} : vector<8x96xf32>, vector<96x1xf32>, vector<8x1xf32> -> vector<8x1xf32>
    %broadcast_in_dim3A_150 = arith.constant 1.000000e+00 : f32
    %broadcast_in_dim3A_151 = vector.broadcast %broadcast_in_dim3A_150 : f32 to vector<96x1xf32>
    %dot_general3A_152 = arith.constant dense<0.000000e+00> : vector<8x1xf32>
    %dot_general3A_153 = tpu.matmul %mul3A_147, %broadcast_in_dim3A_151, %dot_general3A_152 {dimension_numbers = #tpu.dot_dimension_numbers<[1], [0], [0], [1], [0, 0, 1, 1], [], []>, transpose_lhs_hint = false} : vector<8x96xf32>, vector<96x1xf32>, vector<8x1xf32> -> vector<8x1xf32>
    %gt3A_154 = arith.constant 0.000000e+00 : f32
    %gt3A_155 = vector.broadcast %gt3A_154 : f32 to vector<8x1xf32>
    %gt3A_156 = arith.cmpf ogt, %dot_general3A_153, %gt3A_155 : vector<8x1xf32>
    %jit3A_157 = arith.constant -1.000000e+00 : f32
    %broadcast_in_dim3A_158 = vector.broadcast %jit3A_157 : f32 to vector<8x1xf32>
    %select_n3A_159 = arith.select %gt3A_156, %dot_general3A_149, %broadcast_in_dim3A_158 : vector<8x1xi1>, vector<8x1xf32>
    %convert_element_type3A_160 = arith.fptosi %select_n3A_159 : vector<8x1xf32> to vector<8x1xi32>
    %swap3A_161 = arith.constant 0 : index
    %swap3A_162 = arith.constant 0 : index
    %swap3A_163 = vector.load %arg6[%swap3A_161, %swap3A_162] : memref<8x1xi32, #tpu.memory_space<vmem>>, vector<8x1xi32>
    tpu.vector_store %arg6[%swap3A_161, %swap3A_162], %convert_element_type3A_160 {strides = array<i32>} : memref<8x1xi32, #tpu.memory_space<vmem>>, vector<8x1xi32>,
    return
  }
}

module attributes {stable_mosaic.version = 14 : i64} {
  func.func @_mlp_body(%arg0: i32, %arg1: memref<96xi32, #tpu.memory_space<smem>>, %arg2: memref<96xi32, #tpu.memory_space<smem>>, %arg3: memref<96xi32, #tpu.memory_space<smem>>, %arg4: memref<8xi32, #tpu.memory_space<smem>>, %arg5: memref<1xi32, #tpu.memory_space<smem>>, %arg6: memref<64x768xf32, #tpu.memory_space<vmem>>, %arg7: memref<64x384x768xf32, #tpu.memory_space<hbm>>, %arg8: memref<64x384x768xf32, #tpu.memory_space<hbm>>, %arg9: memref<64x768x384xf32, #tpu.memory_space<hbm>>, %arg10: memref<64x768xf32, #tpu.memory_space<vmem>>, %arg11: memref<4x384x768xf32, #tpu.memory_space<vmem>>, %arg12: memref<4x384x768xf32, #tpu.memory_space<vmem>>, %arg13: memref<4x768x384xf32, #tpu.memory_space<vmem>>, %arg14: memref<4x!tpu.dma_semaphore, #tpu.memory_space<semaphore_mem>>, %arg15: memref<4x!tpu.dma_semaphore, #tpu.memory_space<semaphore_mem>>, %arg16: memref<4x!tpu.dma_semaphore, #tpu.memory_space<semaphore_mem>>) attributes {dimension_semantics = [#tpu.dimension_semantics<arbitrary>], iteration_bounds = array<i64: 96>, scalar_prefetch = 5 : i64, scratch_operands = 6 : i64, tpu.core_type = #tpu.core_type<tc>, window_params = [{transform_indices = @transform_0, window_bounds = array<i64: 64, 768>}, {}, {}, {}, {transform_indices = @transform_4, window_bounds = array<i64: 64, 768>}]} {
    %get3A = arith.index_cast %arg0 : i32 to index
    %get3A_0 = memref.load %arg1[%get3A] : memref<96xi32, #tpu.memory_space<smem>>
    %get3A_1 = arith.index_cast %arg0 : i32 to index
    %get3A_2 = memref.load %arg2[%get3A_1] : memref<96xi32, #tpu.memory_space<smem>>
    %eq3A = arith.constant 0 : i32
    %eq3A_3 = arith.cmpi eq, %arg0, %eq3A : i32
    %convert_element_type3A = arith.extui %eq3A_3 : i1 to i32
    %cond3A = arith.constant 0 : i32
    %cond3A_4 = arith.cmpi ne, %convert_element_type3A, %cond3A : i32
    scf.if %cond3A_4 {
      %get3A_25 = arith.constant 0 : index
      %get3A_26 = memref.load %arg4[%get3A_25] : memref<8xi32, #tpu.memory_space<smem>>
      %ge3A_27 = arith.constant 0 : i32
      %ge3A_28 = arith.cmpi sge, %get3A_26, %ge3A_27 : i32
      %convert_element_type3A_29 = arith.extui %ge3A_28 : i1 to i32
      %cond3A_30 = arith.constant 0 : i32
      %cond3A_31 = arith.cmpi ne, %convert_element_type3A_29, %cond3A_30 : i32
      scf.if %cond3A_31 {
        %get3A_46 = arith.constant 0 : index
        %get3A_47 = memref.load %arg4[%get3A_46] : memref<8xi32, #tpu.memory_space<smem>>
        %dma_start3A = arith.constant 0 : i32
        %dma_start3A_48 = arith.constant 0 : i32
        %dma_start3A_49 = tpu.memref_slice %arg14[%dma_start3A_48] : memref<4x!tpu.dma_semaphore, #tpu.memory_space<semaphore_mem>> -> memref<1x!tpu.dma_semaphore, #tpu.memory_space<semaphore_mem>>
        %dma_start3A_50 = tpu.memref_squeeze %dma_start3A_49 : memref<1x!tpu.dma_semaphore, #tpu.memory_space<semaphore_mem>> -> memref<!tpu.dma_semaphore, #tpu.memory_space<semaphore_mem>>
        %dma_start3A_51 = arith.constant 0 : i32
        %dma_start3A_52 = arith.constant 0 : i32
        %dma_start3A_53 = tpu.memref_slice %arg11[%dma_start3A, %dma_start3A_51, %dma_start3A_52] : memref<4x384x768xf32, #tpu.memory_space<vmem>> -> memref<1x384x768xf32, #tpu.memory_space<vmem>>
        %dma_start3A_54 = tpu.memref_squeeze %dma_start3A_53 : memref<1x384x768xf32, #tpu.memory_space<vmem>> -> memref<384x768xf32, #tpu.memory_space<vmem>>
        %dma_start3A_55 = arith.constant 0 : i32
        %dma_start3A_56 = arith.constant 0 : i32
        %dma_start3A_57 = tpu.memref_slice %arg7[%get3A_47, %dma_start3A_55, %dma_start3A_56] : memref<64x384x768xf32, #tpu.memory_space<hbm>> -> memref<1x384x768xf32, #tpu.memory_space<hbm>>
        %dma_start3A_58 = tpu.memref_squeeze %dma_start3A_57 : memref<1x384x768xf32, #tpu.memory_space<hbm>> -> memref<384x768xf32, #tpu.memory_space<hbm>>
        tpu.enqueue_dma source(%dma_start3A_58 : memref<384x768xf32, #tpu.memory_space<hbm>>) target(%dma_start3A_54 : memref<384x768xf32, #tpu.memory_space<vmem>>) target_semaphore(%dma_start3A_50 : memref<!tpu.dma_semaphore, #tpu.memory_space<semaphore_mem>>)
        %dma_start3A_59 = arith.constant 0 : i32
        %dma_start3A_60 = arith.constant 0 : i32
        %dma_start3A_61 = tpu.memref_slice %arg15[%dma_start3A_60] : memref<4x!tpu.dma_semaphore, #tpu.memory_space<semaphore_mem>> -> memref<1x!tpu.dma_semaphore, #tpu.memory_space<semaphore_mem>>
        %dma_start3A_62 = tpu.memref_squeeze %dma_start3A_61 : memref<1x!tpu.dma_semaphore, #tpu.memory_space<semaphore_mem>> -> memref<!tpu.dma_semaphore, #tpu.memory_space<semaphore_mem>>
        %dma_start3A_63 = arith.constant 0 : i32
        %dma_start3A_64 = arith.constant 0 : i32
        %dma_start3A_65 = tpu.memref_slice %arg12[%dma_start3A_59, %dma_start3A_63, %dma_start3A_64] : memref<4x384x768xf32, #tpu.memory_space<vmem>> -> memref<1x384x768xf32, #tpu.memory_space<vmem>>
        %dma_start3A_66 = tpu.memref_squeeze %dma_start3A_65 : memref<1x384x768xf32, #tpu.memory_space<vmem>> -> memref<384x768xf32, #tpu.memory_space<vmem>>
        %dma_start3A_67 = arith.constant 0 : i32
        %dma_start3A_68 = arith.constant 0 : i32
        %dma_start3A_69 = tpu.memref_slice %arg8[%get3A_47, %dma_start3A_67, %dma_start3A_68] : memref<64x384x768xf32, #tpu.memory_space<hbm>> -> memref<1x384x768xf32, #tpu.memory_space<hbm>>
        %dma_start3A_70 = tpu.memref_squeeze %dma_start3A_69 : memref<1x384x768xf32, #tpu.memory_space<hbm>> -> memref<384x768xf32, #tpu.memory_space<hbm>>
        tpu.enqueue_dma source(%dma_start3A_70 : memref<384x768xf32, #tpu.memory_space<hbm>>) target(%dma_start3A_66 : memref<384x768xf32, #tpu.memory_space<vmem>>) target_semaphore(%dma_start3A_62 : memref<!tpu.dma_semaphore, #tpu.memory_space<semaphore_mem>>)
        %dma_start3A_71 = arith.constant 0 : i32
        %dma_start3A_72 = arith.constant 0 : i32
        %dma_start3A_73 = tpu.memref_slice %arg16[%dma_start3A_72] : memref<4x!tpu.dma_semaphore, #tpu.memory_space<semaphore_mem>> -> memref<1x!tpu.dma_semaphore, #tpu.memory_space<semaphore_mem>>
        %dma_start3A_74 = tpu.memref_squeeze %dma_start3A_73 : memref<1x!tpu.dma_semaphore, #tpu.memory_space<semaphore_mem>> -> memref<!tpu.dma_semaphore, #tpu.memory_space<semaphore_mem>>
        %dma_start3A_75 = arith.constant 0 : i32
        %dma_start3A_76 = arith.constant 0 : i32
        %dma_start3A_77 = tpu.memref_slice %arg13[%dma_start3A_71, %dma_start3A_75, %dma_start3A_76] : memref<4x768x384xf32, #tpu.memory_space<vmem>> -> memref<1x768x384xf32, #tpu.memory_space<vmem>>
        %dma_start3A_78 = tpu.memref_squeeze %dma_start3A_77 : memref<1x768x384xf32, #tpu.memory_space<vmem>> -> memref<768x384xf32, #tpu.memory_space<vmem>>
        %dma_start3A_79 = arith.constant 0 : i32
        %dma_start3A_80 = arith.constant 0 : i32
        %dma_start3A_81 = tpu.memref_slice %arg9[%get3A_47, %dma_start3A_79, %dma_start3A_80] : memref<64x768x384xf32, #tpu.memory_space<hbm>> -> memref<1x768x384xf32, #tpu.memory_space<hbm>>
        %dma_start3A_82 = tpu.memref_squeeze %dma_start3A_81 : memref<1x768x384xf32, #tpu.memory_space<hbm>> -> memref<768x384xf32, #tpu.memory_space<hbm>>
        tpu.enqueue_dma source(%dma_start3A_82 : memref<768x384xf32, #tpu.memory_space<hbm>>) target(%dma_start3A_78 : memref<768x384xf32, #tpu.memory_space<vmem>>) target_semaphore(%dma_start3A_74 : memref<!tpu.dma_semaphore, #tpu.memory_space<semaphore_mem>>)
      } else {
      }
      %get3A_32 = arith.constant 1 : index
      %get3A_33 = memref.load %arg4[%get3A_32] : memref<8xi32, #tpu.memory_space<smem>>
      %ge3A_34 = arith.constant 0 : i32
      %ge3A_35 = arith.cmpi sge, %get3A_33, %ge3A_34 : i32
      %convert_element_type3A_36 = arith.extui %ge3A_35 : i1 to i32
      %cond3A_37 = arith.constant 0 : i32
      %cond3A_38 = arith.cmpi ne, %convert_element_type3A_36, %cond3A_37 : i32
      scf.if %cond3A_38 {
        %get3A_46 = arith.constant 1 : index
        %get3A_47 = memref.load %arg4[%get3A_46] : memref<8xi32, #tpu.memory_space<smem>>
        %dma_start3A = arith.constant 1 : i32
        %dma_start3A_48 = arith.constant 1 : i32
        %dma_start3A_49 = tpu.memref_slice %arg14[%dma_start3A_48] : memref<4x!tpu.dma_semaphore, #tpu.memory_space<semaphore_mem>> -> memref<1x!tpu.dma_semaphore, #tpu.memory_space<semaphore_mem>>
        %dma_start3A_50 = tpu.memref_squeeze %dma_start3A_49 : memref<1x!tpu.dma_semaphore, #tpu.memory_space<semaphore_mem>> -> memref<!tpu.dma_semaphore, #tpu.memory_space<semaphore_mem>>
        %dma_start3A_51 = arith.constant 0 : i32
        %dma_start3A_52 = arith.constant 0 : i32
        %dma_start3A_53 = tpu.memref_slice %arg11[%dma_start3A, %dma_start3A_51, %dma_start3A_52] : memref<4x384x768xf32, #tpu.memory_space<vmem>> -> memref<1x384x768xf32, #tpu.memory_space<vmem>>
        %dma_start3A_54 = tpu.memref_squeeze %dma_start3A_53 : memref<1x384x768xf32, #tpu.memory_space<vmem>> -> memref<384x768xf32, #tpu.memory_space<vmem>>
        %dma_start3A_55 = arith.constant 0 : i32
        %dma_start3A_56 = arith.constant 0 : i32
        %dma_start3A_57 = tpu.memref_slice %arg7[%get3A_47, %dma_start3A_55, %dma_start3A_56] : memref<64x384x768xf32, #tpu.memory_space<hbm>> -> memref<1x384x768xf32, #tpu.memory_space<hbm>>
        %dma_start3A_58 = tpu.memref_squeeze %dma_start3A_57 : memref<1x384x768xf32, #tpu.memory_space<hbm>> -> memref<384x768xf32, #tpu.memory_space<hbm>>
        tpu.enqueue_dma source(%dma_start3A_58 : memref<384x768xf32, #tpu.memory_space<hbm>>) target(%dma_start3A_54 : memref<384x768xf32, #tpu.memory_space<vmem>>) target_semaphore(%dma_start3A_50 : memref<!tpu.dma_semaphore, #tpu.memory_space<semaphore_mem>>)
        %dma_start3A_59 = arith.constant 1 : i32
        %dma_start3A_60 = arith.constant 1 : i32
        %dma_start3A_61 = tpu.memref_slice %arg15[%dma_start3A_60] : memref<4x!tpu.dma_semaphore, #tpu.memory_space<semaphore_mem>> -> memref<1x!tpu.dma_semaphore, #tpu.memory_space<semaphore_mem>>
        %dma_start3A_62 = tpu.memref_squeeze %dma_start3A_61 : memref<1x!tpu.dma_semaphore, #tpu.memory_space<semaphore_mem>> -> memref<!tpu.dma_semaphore, #tpu.memory_space<semaphore_mem>>
        %dma_start3A_63 = arith.constant 0 : i32
        %dma_start3A_64 = arith.constant 0 : i32
        %dma_start3A_65 = tpu.memref_slice %arg12[%dma_start3A_59, %dma_start3A_63, %dma_start3A_64] : memref<4x384x768xf32, #tpu.memory_space<vmem>> -> memref<1x384x768xf32, #tpu.memory_space<vmem>>
        %dma_start3A_66 = tpu.memref_squeeze %dma_start3A_65 : memref<1x384x768xf32, #tpu.memory_space<vmem>> -> memref<384x768xf32, #tpu.memory_space<vmem>>
        %dma_start3A_67 = arith.constant 0 : i32
        %dma_start3A_68 = arith.constant 0 : i32
        %dma_start3A_69 = tpu.memref_slice %arg8[%get3A_47, %dma_start3A_67, %dma_start3A_68] : memref<64x384x768xf32, #tpu.memory_space<hbm>> -> memref<1x384x768xf32, #tpu.memory_space<hbm>>
        %dma_start3A_70 = tpu.memref_squeeze %dma_start3A_69 : memref<1x384x768xf32, #tpu.memory_space<hbm>> -> memref<384x768xf32, #tpu.memory_space<hbm>>
        tpu.enqueue_dma source(%dma_start3A_70 : memref<384x768xf32, #tpu.memory_space<hbm>>) target(%dma_start3A_66 : memref<384x768xf32, #tpu.memory_space<vmem>>) target_semaphore(%dma_start3A_62 : memref<!tpu.dma_semaphore, #tpu.memory_space<semaphore_mem>>)
        %dma_start3A_71 = arith.constant 1 : i32
        %dma_start3A_72 = arith.constant 1 : i32
        %dma_start3A_73 = tpu.memref_slice %arg16[%dma_start3A_72] : memref<4x!tpu.dma_semaphore, #tpu.memory_space<semaphore_mem>> -> memref<1x!tpu.dma_semaphore, #tpu.memory_space<semaphore_mem>>
        %dma_start3A_74 = tpu.memref_squeeze %dma_start3A_73 : memref<1x!tpu.dma_semaphore, #tpu.memory_space<semaphore_mem>> -> memref<!tpu.dma_semaphore, #tpu.memory_space<semaphore_mem>>
        %dma_start3A_75 = arith.constant 0 : i32
        %dma_start3A_76 = arith.constant 0 : i32
        %dma_start3A_77 = tpu.memref_slice %arg13[%dma_start3A_71, %dma_start3A_75, %dma_start3A_76] : memref<4x768x384xf32, #tpu.memory_space<vmem>> -> memref<1x768x384xf32, #tpu.memory_space<vmem>>
        %dma_start3A_78 = tpu.memref_squeeze %dma_start3A_77 : memref<1x768x384xf32, #tpu.memory_space<vmem>> -> memref<768x384xf32, #tpu.memory_space<vmem>>
        %dma_start3A_79 = arith.constant 0 : i32
        %dma_start3A_80 = arith.constant 0 : i32
        %dma_start3A_81 = tpu.memref_slice %arg9[%get3A_47, %dma_start3A_79, %dma_start3A_80] : memref<64x768x384xf32, #tpu.memory_space<hbm>> -> memref<1x768x384xf32, #tpu.memory_space<hbm>>
        %dma_start3A_82 = tpu.memref_squeeze %dma_start3A_81 : memref<1x768x384xf32, #tpu.memory_space<hbm>> -> memref<768x384xf32, #tpu.memory_space<hbm>>
        tpu.enqueue_dma source(%dma_start3A_82 : memref<768x384xf32, #tpu.memory_space<hbm>>) target(%dma_start3A_78 : memref<768x384xf32, #tpu.memory_space<vmem>>) target_semaphore(%dma_start3A_74 : memref<!tpu.dma_semaphore, #tpu.memory_space<semaphore_mem>>)
      } else {
      }
      %get3A_39 = arith.constant 2 : index
      %get3A_40 = memref.load %arg4[%get3A_39] : memref<8xi32, #tpu.memory_space<smem>>
      %ge3A_41 = arith.constant 0 : i32
      %ge3A_42 = arith.cmpi sge, %get3A_40, %ge3A_41 : i32
      %convert_element_type3A_43 = arith.extui %ge3A_42 : i1 to i32
      %cond3A_44 = arith.constant 0 : i32
      %cond3A_45 = arith.cmpi ne, %convert_element_type3A_43, %cond3A_44 : i32
      scf.if %cond3A_45 {
        %get3A_46 = arith.constant 2 : index
        %get3A_47 = memref.load %arg4[%get3A_46] : memref<8xi32, #tpu.memory_space<smem>>
        %dma_start3A = arith.constant 2 : i32
        %dma_start3A_48 = arith.constant 2 : i32
        %dma_start3A_49 = tpu.memref_slice %arg14[%dma_start3A_48] : memref<4x!tpu.dma_semaphore, #tpu.memory_space<semaphore_mem>> -> memref<1x!tpu.dma_semaphore, #tpu.memory_space<semaphore_mem>>
        %dma_start3A_50 = tpu.memref_squeeze %dma_start3A_49 : memref<1x!tpu.dma_semaphore, #tpu.memory_space<semaphore_mem>> -> memref<!tpu.dma_semaphore, #tpu.memory_space<semaphore_mem>>
        %dma_start3A_51 = arith.constant 0 : i32
        %dma_start3A_52 = arith.constant 0 : i32
        %dma_start3A_53 = tpu.memref_slice %arg11[%dma_start3A, %dma_start3A_51, %dma_start3A_52] : memref<4x384x768xf32, #tpu.memory_space<vmem>> -> memref<1x384x768xf32, #tpu.memory_space<vmem>>
        %dma_start3A_54 = tpu.memref_squeeze %dma_start3A_53 : memref<1x384x768xf32, #tpu.memory_space<vmem>> -> memref<384x768xf32, #tpu.memory_space<vmem>>
        %dma_start3A_55 = arith.constant 0 : i32
        %dma_start3A_56 = arith.constant 0 : i32
        %dma_start3A_57 = tpu.memref_slice %arg7[%get3A_47, %dma_start3A_55, %dma_start3A_56] : memref<64x384x768xf32, #tpu.memory_space<hbm>> -> memref<1x384x768xf32, #tpu.memory_space<hbm>>
        %dma_start3A_58 = tpu.memref_squeeze %dma_start3A_57 : memref<1x384x768xf32, #tpu.memory_space<hbm>> -> memref<384x768xf32, #tpu.memory_space<hbm>>
        tpu.enqueue_dma source(%dma_start3A_58 : memref<384x768xf32, #tpu.memory_space<hbm>>) target(%dma_start3A_54 : memref<384x768xf32, #tpu.memory_space<vmem>>) target_semaphore(%dma_start3A_50 : memref<!tpu.dma_semaphore, #tpu.memory_space<semaphore_mem>>)
        %dma_start3A_59 = arith.constant 2 : i32
        %dma_start3A_60 = arith.constant 2 : i32
        %dma_start3A_61 = tpu.memref_slice %arg15[%dma_start3A_60] : memref<4x!tpu.dma_semaphore, #tpu.memory_space<semaphore_mem>> -> memref<1x!tpu.dma_semaphore, #tpu.memory_space<semaphore_mem>>
        %dma_start3A_62 = tpu.memref_squeeze %dma_start3A_61 : memref<1x!tpu.dma_semaphore, #tpu.memory_space<semaphore_mem>> -> memref<!tpu.dma_semaphore, #tpu.memory_space<semaphore_mem>>
        %dma_start3A_63 = arith.constant 0 : i32
        %dma_start3A_64 = arith.constant 0 : i32
        %dma_start3A_65 = tpu.memref_slice %arg12[%dma_start3A_59, %dma_start3A_63, %dma_start3A_64] : memref<4x384x768xf32, #tpu.memory_space<vmem>> -> memref<1x384x768xf32, #tpu.memory_space<vmem>>
        %dma_start3A_66 = tpu.memref_squeeze %dma_start3A_65 : memref<1x384x768xf32, #tpu.memory_space<vmem>> -> memref<384x768xf32, #tpu.memory_space<vmem>>
        %dma_start3A_67 = arith.constant 0 : i32
        %dma_start3A_68 = arith.constant 0 : i32
        %dma_start3A_69 = tpu.memref_slice %arg8[%get3A_47, %dma_start3A_67, %dma_start3A_68] : memref<64x384x768xf32, #tpu.memory_space<hbm>> -> memref<1x384x768xf32, #tpu.memory_space<hbm>>
        %dma_start3A_70 = tpu.memref_squeeze %dma_start3A_69 : memref<1x384x768xf32, #tpu.memory_space<hbm>> -> memref<384x768xf32, #tpu.memory_space<hbm>>
        tpu.enqueue_dma source(%dma_start3A_70 : memref<384x768xf32, #tpu.memory_space<hbm>>) target(%dma_start3A_66 : memref<384x768xf32, #tpu.memory_space<vmem>>) target_semaphore(%dma_start3A_62 : memref<!tpu.dma_semaphore, #tpu.memory_space<semaphore_mem>>)
        %dma_start3A_71 = arith.constant 2 : i32
        %dma_start3A_72 = arith.constant 2 : i32
        %dma_start3A_73 = tpu.memref_slice %arg16[%dma_start3A_72] : memref<4x!tpu.dma_semaphore, #tpu.memory_space<semaphore_mem>> -> memref<1x!tpu.dma_semaphore, #tpu.memory_space<semaphore_mem>>
        %dma_start3A_74 = tpu.memref_squeeze %dma_start3A_73 : memref<1x!tpu.dma_semaphore, #tpu.memory_space<semaphore_mem>> -> memref<!tpu.dma_semaphore, #tpu.memory_space<semaphore_mem>>
        %dma_start3A_75 = arith.constant 0 : i32
        %dma_start3A_76 = arith.constant 0 : i32
        %dma_start3A_77 = tpu.memref_slice %arg13[%dma_start3A_71, %dma_start3A_75, %dma_start3A_76] : memref<4x768x384xf32, #tpu.memory_space<vmem>> -> memref<1x768x384xf32, #tpu.memory_space<vmem>>
        %dma_start3A_78 = tpu.memref_squeeze %dma_start3A_77 : memref<1x768x384xf32, #tpu.memory_space<vmem>> -> memref<768x384xf32, #tpu.memory_space<vmem>>
        %dma_start3A_79 = arith.constant 0 : i32
        %dma_start3A_80 = arith.constant 0 : i32
        %dma_start3A_81 = tpu.memref_slice %arg9[%get3A_47, %dma_start3A_79, %dma_start3A_80] : memref<64x768x384xf32, #tpu.memory_space<hbm>> -> memref<1x768x384xf32, #tpu.memory_space<hbm>>
        %dma_start3A_82 = tpu.memref_squeeze %dma_start3A_81 : memref<1x768x384xf32, #tpu.memory_space<hbm>> -> memref<768x384xf32, #tpu.memory_space<hbm>>
        tpu.enqueue_dma source(%dma_start3A_82 : memref<768x384xf32, #tpu.memory_space<hbm>>) target(%dma_start3A_78 : memref<768x384xf32, #tpu.memory_space<vmem>>) target_semaphore(%dma_start3A_74 : memref<!tpu.dma_semaphore, #tpu.memory_space<semaphore_mem>>)
      } else {
      }
    } else {
    }
    %eq3A_5 = arith.constant 0 : i32
    %eq3A_6 = arith.cmpi eq, %arg0, %eq3A_5 : i32
    %sub3A = arith.constant 1 : i32
    %sub3A_7 = arith.subi %arg0, %sub3A : i32
    %max3A = arith.constant 0 : i32
    %max3A_8 = arith.maxsi %sub3A_7, %max3A : i32
    %get3A_9 = arith.index_cast %max3A_8 : i32 to index
    %get3A_10 = memref.load %arg1[%get3A_9] : memref<96xi32, #tpu.memory_space<smem>>
    %ne3A = arith.cmpi ne, %get3A_10, %get3A_0 : i32
    %or3A = arith.ori %eq3A_6, %ne3A : i1
    %get3A_11 = arith.index_cast %arg0 : i32 to index
    %get3A_12 = memref.load %arg3[%get3A_11] : memref<96xi32, #tpu.memory_space<smem>>
    %ge3A = arith.constant 0 : i32
    %ge3A_13 = arith.cmpi sge, %get3A_12, %ge3A : i32
    %and3A = arith.andi %or3A, %ge3A_13 : i1
    %convert_element_type3A_14 = arith.extui %and3A : i1 to i32
    %cond3A_15 = arith.constant 0 : i32
    %cond3A_16 = arith.cmpi ne, %convert_element_type3A_14, %cond3A_15 : i32
    scf.if %cond3A_16 {
      %eq3A_25 = arith.constant 0 : i32
      %eq3A_26 = arith.cmpi eq, %get3A_2, %eq3A_25 : i32
      %sub3A_27 = arith.constant 1 : i32
      %sub3A_28 = arith.subi %get3A_2, %sub3A_27 : i32
      %jit3A = arith.constant 3 : i32
      %select_n3A = arith.select %eq3A_26, %jit3A, %sub3A_28 : i32
      %dma_start3A = tpu.memref_slice %arg14[%select_n3A] : memref<4x!tpu.dma_semaphore, #tpu.memory_space<semaphore_mem>> -> memref<1x!tpu.dma_semaphore, #tpu.memory_space<semaphore_mem>>
      %dma_start3A_29 = tpu.memref_squeeze %dma_start3A : memref<1x!tpu.dma_semaphore, #tpu.memory_space<semaphore_mem>> -> memref<!tpu.dma_semaphore, #tpu.memory_space<semaphore_mem>>
      %dma_start3A_30 = arith.constant 0 : i32
      %dma_start3A_31 = arith.constant 0 : i32
      %dma_start3A_32 = tpu.memref_slice %arg11[%select_n3A, %dma_start3A_30, %dma_start3A_31] : memref<4x384x768xf32, #tpu.memory_space<vmem>> -> memref<1x384x768xf32, #tpu.memory_space<vmem>>
      %dma_start3A_33 = tpu.memref_squeeze %dma_start3A_32 : memref<1x384x768xf32, #tpu.memory_space<vmem>> -> memref<384x768xf32, #tpu.memory_space<vmem>>
      %dma_start3A_34 = arith.constant 0 : i32
      %dma_start3A_35 = arith.constant 0 : i32
      %dma_start3A_36 = tpu.memref_slice %arg7[%get3A_12, %dma_start3A_34, %dma_start3A_35] : memref<64x384x768xf32, #tpu.memory_space<hbm>> -> memref<1x384x768xf32, #tpu.memory_space<hbm>>
      %dma_start3A_37 = tpu.memref_squeeze %dma_start3A_36 : memref<1x384x768xf32, #tpu.memory_space<hbm>> -> memref<384x768xf32, #tpu.memory_space<hbm>>
      tpu.enqueue_dma source(%dma_start3A_37 : memref<384x768xf32, #tpu.memory_space<hbm>>) target(%dma_start3A_33 : memref<384x768xf32, #tpu.memory_space<vmem>>) target_semaphore(%dma_start3A_29 : memref<!tpu.dma_semaphore, #tpu.memory_space<semaphore_mem>>)
      %dma_start3A_38 = tpu.memref_slice %arg15[%select_n3A] : memref<4x!tpu.dma_semaphore, #tpu.memory_space<semaphore_mem>> -> memref<1x!tpu.dma_semaphore, #tpu.memory_space<semaphore_mem>>
      %dma_start3A_39 = tpu.memref_squeeze %dma_start3A_38 : memref<1x!tpu.dma_semaphore, #tpu.memory_space<semaphore_mem>> -> memref<!tpu.dma_semaphore, #tpu.memory_space<semaphore_mem>>
      %dma_start3A_40 = arith.constant 0 : i32
      %dma_start3A_41 = arith.constant 0 : i32
      %dma_start3A_42 = tpu.memref_slice %arg12[%select_n3A, %dma_start3A_40, %dma_start3A_41] : memref<4x384x768xf32, #tpu.memory_space<vmem>> -> memref<1x384x768xf32, #tpu.memory_space<vmem>>
      %dma_start3A_43 = tpu.memref_squeeze %dma_start3A_42 : memref<1x384x768xf32, #tpu.memory_space<vmem>> -> memref<384x768xf32, #tpu.memory_space<vmem>>
      %dma_start3A_44 = arith.constant 0 : i32
      %dma_start3A_45 = arith.constant 0 : i32
      %dma_start3A_46 = tpu.memref_slice %arg8[%get3A_12, %dma_start3A_44, %dma_start3A_45] : memref<64x384x768xf32, #tpu.memory_space<hbm>> -> memref<1x384x768xf32, #tpu.memory_space<hbm>>
      %dma_start3A_47 = tpu.memref_squeeze %dma_start3A_46 : memref<1x384x768xf32, #tpu.memory_space<hbm>> -> memref<384x768xf32, #tpu.memory_space<hbm>>
      tpu.enqueue_dma source(%dma_start3A_47 : memref<384x768xf32, #tpu.memory_space<hbm>>) target(%dma_start3A_43 : memref<384x768xf32, #tpu.memory_space<vmem>>) target_semaphore(%dma_start3A_39 : memref<!tpu.dma_semaphore, #tpu.memory_space<semaphore_mem>>)
      %dma_start3A_48 = tpu.memref_slice %arg16[%select_n3A] : memref<4x!tpu.dma_semaphore, #tpu.memory_space<semaphore_mem>> -> memref<1x!tpu.dma_semaphore, #tpu.memory_space<semaphore_mem>>
      %dma_start3A_49 = tpu.memref_squeeze %dma_start3A_48 : memref<1x!tpu.dma_semaphore, #tpu.memory_space<semaphore_mem>> -> memref<!tpu.dma_semaphore, #tpu.memory_space<semaphore_mem>>
      %dma_start3A_50 = arith.constant 0 : i32
      %dma_start3A_51 = arith.constant 0 : i32
      %dma_start3A_52 = tpu.memref_slice %arg13[%select_n3A, %dma_start3A_50, %dma_start3A_51] : memref<4x768x384xf32, #tpu.memory_space<vmem>> -> memref<1x768x384xf32, #tpu.memory_space<vmem>>
      %dma_start3A_53 = tpu.memref_squeeze %dma_start3A_52 : memref<1x768x384xf32, #tpu.memory_space<vmem>> -> memref<768x384xf32, #tpu.memory_space<vmem>>
      %dma_start3A_54 = arith.constant 0 : i32
      %dma_start3A_55 = arith.constant 0 : i32
      %dma_start3A_56 = tpu.memref_slice %arg9[%get3A_12, %dma_start3A_54, %dma_start3A_55] : memref<64x768x384xf32, #tpu.memory_space<hbm>> -> memref<1x768x384xf32, #tpu.memory_space<hbm>>
      %dma_start3A_57 = tpu.memref_squeeze %dma_start3A_56 : memref<1x768x384xf32, #tpu.memory_space<hbm>> -> memref<768x384xf32, #tpu.memory_space<hbm>>
      tpu.enqueue_dma source(%dma_start3A_57 : memref<768x384xf32, #tpu.memory_space<hbm>>) target(%dma_start3A_53 : memref<768x384xf32, #tpu.memory_space<vmem>>) target_semaphore(%dma_start3A_49 : memref<!tpu.dma_semaphore, #tpu.memory_space<semaphore_mem>>)
    } else {
    }
    %convert_element_type3A_17 = arith.extui %or3A : i1 to i32
    %cond3A_18 = arith.constant 0 : i32
    %cond3A_19 = arith.cmpi ne, %convert_element_type3A_17, %cond3A_18 : i32
    scf.if %cond3A_19 {
      %dma_wait3A = tpu.memref_slice %arg14[%get3A_2] : memref<4x!tpu.dma_semaphore, #tpu.memory_space<semaphore_mem>> -> memref<1x!tpu.dma_semaphore, #tpu.memory_space<semaphore_mem>>
      %dma_wait3A_25 = tpu.memref_squeeze %dma_wait3A : memref<1x!tpu.dma_semaphore, #tpu.memory_space<semaphore_mem>> -> memref<!tpu.dma_semaphore, #tpu.memory_space<semaphore_mem>>
      %dma_wait3A_26 = arith.constant 0 : i32
      %dma_wait3A_27 = arith.constant 0 : i32
      %dma_wait3A_28 = tpu.memref_slice %arg11[%get3A_2, %dma_wait3A_26, %dma_wait3A_27] : memref<4x384x768xf32, #tpu.memory_space<vmem>> -> memref<1x384x768xf32, #tpu.memory_space<vmem>>
      %dma_wait3A_29 = tpu.memref_squeeze %dma_wait3A_28 : memref<1x384x768xf32, #tpu.memory_space<vmem>> -> memref<384x768xf32, #tpu.memory_space<vmem>>
      %dma_wait3A_30 = arith.constant 0 : i32
      %dma_wait3A_31 = arith.constant 0 : i32
      %dma_wait3A_32 = tpu.memref_slice %arg7[%get3A_0, %dma_wait3A_30, %dma_wait3A_31] : memref<64x384x768xf32, #tpu.memory_space<hbm>> -> memref<1x384x768xf32, #tpu.memory_space<hbm>>
      %dma_wait3A_33 = tpu.memref_squeeze %dma_wait3A_32 : memref<1x384x768xf32, #tpu.memory_space<hbm>> -> memref<384x768xf32, #tpu.memory_space<hbm>>
      tpu.wait_dma2 semaphore(%dma_wait3A_25 : memref<!tpu.dma_semaphore, #tpu.memory_space<semaphore_mem>>) src(%dma_wait3A_33 : memref<384x768xf32, #tpu.memory_space<hbm>>) dst(%dma_wait3A_29 : memref<384x768xf32, #tpu.memory_space<vmem>>)
      %dma_wait3A_34 = tpu.memref_slice %arg15[%get3A_2] : memref<4x!tpu.dma_semaphore, #tpu.memory_space<semaphore_mem>> -> memref<1x!tpu.dma_semaphore, #tpu.memory_space<semaphore_mem>>
      %dma_wait3A_35 = tpu.memref_squeeze %dma_wait3A_34 : memref<1x!tpu.dma_semaphore, #tpu.memory_space<semaphore_mem>> -> memref<!tpu.dma_semaphore, #tpu.memory_space<semaphore_mem>>
      %dma_wait3A_36 = arith.constant 0 : i32
      %dma_wait3A_37 = arith.constant 0 : i32
      %dma_wait3A_38 = tpu.memref_slice %arg12[%get3A_2, %dma_wait3A_36, %dma_wait3A_37] : memref<4x384x768xf32, #tpu.memory_space<vmem>> -> memref<1x384x768xf32, #tpu.memory_space<vmem>>
      %dma_wait3A_39 = tpu.memref_squeeze %dma_wait3A_38 : memref<1x384x768xf32, #tpu.memory_space<vmem>> -> memref<384x768xf32, #tpu.memory_space<vmem>>
      %dma_wait3A_40 = arith.constant 0 : i32
      %dma_wait3A_41 = arith.constant 0 : i32
      %dma_wait3A_42 = tpu.memref_slice %arg8[%get3A_0, %dma_wait3A_40, %dma_wait3A_41] : memref<64x384x768xf32, #tpu.memory_space<hbm>> -> memref<1x384x768xf32, #tpu.memory_space<hbm>>
      %dma_wait3A_43 = tpu.memref_squeeze %dma_wait3A_42 : memref<1x384x768xf32, #tpu.memory_space<hbm>> -> memref<384x768xf32, #tpu.memory_space<hbm>>
      tpu.wait_dma2 semaphore(%dma_wait3A_35 : memref<!tpu.dma_semaphore, #tpu.memory_space<semaphore_mem>>) src(%dma_wait3A_43 : memref<384x768xf32, #tpu.memory_space<hbm>>) dst(%dma_wait3A_39 : memref<384x768xf32, #tpu.memory_space<vmem>>)
      %dma_wait3A_44 = tpu.memref_slice %arg16[%get3A_2] : memref<4x!tpu.dma_semaphore, #tpu.memory_space<semaphore_mem>> -> memref<1x!tpu.dma_semaphore, #tpu.memory_space<semaphore_mem>>
      %dma_wait3A_45 = tpu.memref_squeeze %dma_wait3A_44 : memref<1x!tpu.dma_semaphore, #tpu.memory_space<semaphore_mem>> -> memref<!tpu.dma_semaphore, #tpu.memory_space<semaphore_mem>>
      %dma_wait3A_46 = arith.constant 0 : i32
      %dma_wait3A_47 = arith.constant 0 : i32
      %dma_wait3A_48 = tpu.memref_slice %arg13[%get3A_2, %dma_wait3A_46, %dma_wait3A_47] : memref<4x768x384xf32, #tpu.memory_space<vmem>> -> memref<1x768x384xf32, #tpu.memory_space<vmem>>
      %dma_wait3A_49 = tpu.memref_squeeze %dma_wait3A_48 : memref<1x768x384xf32, #tpu.memory_space<vmem>> -> memref<768x384xf32, #tpu.memory_space<vmem>>
      %dma_wait3A_50 = arith.constant 0 : i32
      %dma_wait3A_51 = arith.constant 0 : i32
      %dma_wait3A_52 = tpu.memref_slice %arg9[%get3A_0, %dma_wait3A_50, %dma_wait3A_51] : memref<64x768x384xf32, #tpu.memory_space<hbm>> -> memref<1x768x384xf32, #tpu.memory_space<hbm>>
      %dma_wait3A_53 = tpu.memref_squeeze %dma_wait3A_52 : memref<1x768x384xf32, #tpu.memory_space<hbm>> -> memref<768x384xf32, #tpu.memory_space<hbm>>
      tpu.wait_dma2 semaphore(%dma_wait3A_45 : memref<!tpu.dma_semaphore, #tpu.memory_space<semaphore_mem>>) src(%dma_wait3A_53 : memref<768x384xf32, #tpu.memory_space<hbm>>) dst(%dma_wait3A_49 : memref<768x384xf32, #tpu.memory_space<vmem>>)
    } else {
    }
    %get3A_20 = arith.constant 0 : index
    %get3A_21 = memref.load %arg5[%get3A_20] : memref<1xi32, #tpu.memory_space<smem>>
    %lt3A = arith.cmpi slt, %arg0, %get3A_21 : i32
    %convert_element_type3A_22 = arith.extui %lt3A : i1 to i32
    %cond3A_23 = arith.constant 0 : i32
    %cond3A_24 = arith.cmpi ne, %convert_element_type3A_22, %cond3A_23 : i32
    scf.if %cond3A_24 {
      %get3A_25 = arith.constant 0 : index
      %get3A_26 = arith.constant 0 : index
      %get3A_27 = vector.load %arg6[%get3A_25, %get3A_26] : memref<64x768xf32, #tpu.memory_space<vmem>>, vector<64x768xf32>
      %get3A_28 = arith.index_cast %get3A_2 : i32 to index
      %get3A_29 = arith.constant 0 : index
      %get3A_30 = arith.constant 0 : index
      %get3A_31 = vector.load %arg11[%get3A_28, %get3A_29, %get3A_30] : memref<4x384x768xf32, #tpu.memory_space<vmem>>, vector<1x384x768xf32>
      %get3A_32 = vector.shape_cast %get3A_31 : vector<1x384x768xf32> to vector<384x768xf32>
      %dot_general3A = arith.constant dense<0.000000e+00> : vector<64x384xf32>
      %dot_general3A_33 = tpu.matmul %get3A_27, %get3A_32, %dot_general3A {dimension_numbers = #tpu.dot_dimension_numbers<[1], [1], [0], [0], [0, 0, 1, 0], [], []>, transpose_lhs_hint = false} : vector<64x768xf32>, vector<384x768xf32>, vector<64x384xf32> -> vector<64x384xf32>
      %get3A_34 = arith.index_cast %get3A_2 : i32 to index
      %get3A_35 = arith.constant 0 : index
      %get3A_36 = arith.constant 0 : index
      %get3A_37 = vector.load %arg12[%get3A_34, %get3A_35, %get3A_36] : memref<4x384x768xf32, #tpu.memory_space<vmem>>, vector<1x384x768xf32>
      %get3A_38 = vector.shape_cast %get3A_37 : vector<1x384x768xf32> to vector<384x768xf32>
      %dot_general3A_39 = arith.constant dense<0.000000e+00> : vector<64x384xf32>
      %dot_general3A_40 = tpu.matmul %get3A_27, %get3A_38, %dot_general3A_39 {dimension_numbers = #tpu.dot_dimension_numbers<[1], [1], [0], [0], [0, 0, 1, 0], [], []>, transpose_lhs_hint = false} : vector<64x768xf32>, vector<384x768xf32>, vector<64x384xf32> -> vector<64x384xf32>
      %logistic3A = arith.negf %dot_general3A_33 : vector<64x384xf32>
      %logistic3A_41 = math.exp %logistic3A : vector<64x384xf32>
      %logistic3A_42 = arith.constant 1.000000e+00 : f32
      %logistic3A_43 = vector.broadcast %logistic3A_42 : f32 to vector<64x384xf32>
      %logistic3A_44 = arith.addf %logistic3A_43, %logistic3A_41 : vector<64x384xf32>
      %logistic3A_45 = arith.divf %logistic3A_43, %logistic3A_44 : vector<64x384xf32>
      %mul3A = arith.mulf %dot_general3A_33, %logistic3A_45 : vector<64x384xf32>
      %mul3A_46 = arith.mulf %mul3A, %dot_general3A_40 : vector<64x384xf32>
      %get3A_47 = arith.index_cast %get3A_2 : i32 to index
      %get3A_48 = arith.constant 0 : index
      %get3A_49 = arith.constant 0 : index
      %get3A_50 = vector.load %arg13[%get3A_47, %get3A_48, %get3A_49] : memref<4x768x384xf32, #tpu.memory_space<vmem>>, vector<1x768x384xf32>
      %get3A_51 = vector.shape_cast %get3A_50 : vector<1x768x384xf32> to vector<768x384xf32>
      %dot_general3A_52 = arith.constant dense<0.000000e+00> : vector<64x768xf32>
      %dot_general3A_53 = tpu.matmul %mul3A_46, %get3A_51, %dot_general3A_52 {dimension_numbers = #tpu.dot_dimension_numbers<[1], [1], [0], [0], [0, 0, 1, 0], [], []>, transpose_lhs_hint = false} : vector<64x384xf32>, vector<768x384xf32>, vector<64x768xf32> -> vector<64x768xf32>
      %swap3A = arith.constant 0 : index
      %swap3A_54 = arith.constant 0 : index
      %swap3A_55 = vector.load %arg10[%swap3A, %swap3A_54] : memref<64x768xf32, #tpu.memory_space<vmem>>, vector<64x768xf32>
      tpu.vector_store %arg10[%swap3A, %swap3A_54], %dot_general3A_53 {strides = array<i32>} : memref<64x768xf32, #tpu.memory_space<vmem>>, vector<64x768xf32>,
    } else {
    }
    return
  }
  func.func @transform_0(%arg0: i32, %arg1: memref<96xi32, #tpu.memory_space<smem>>, %arg2: memref<96xi32, #tpu.memory_space<smem>>, %arg3: memref<96xi32, #tpu.memory_space<smem>>, %arg4: memref<8xi32, #tpu.memory_space<smem>>, %arg5: memref<1xi32, #tpu.memory_space<smem>>) -> (i32, i32) {
    %c0_i32 = arith.constant 0 : i32
    %c0_i32_0 = arith.constant 0 : i32
    return %arg0, %c0_i32 : i32, i32
  }
  func.func @transform_4(%arg0: i32, %arg1: memref<96xi32, #tpu.memory_space<smem>>, %arg2: memref<96xi32, #tpu.memory_space<smem>>, %arg3: memref<96xi32, #tpu.memory_space<smem>>, %arg4: memref<8xi32, #tpu.memory_space<smem>>, %arg5: memref<1xi32, #tpu.memory_space<smem>>) -> (i32, i32) {
    %c0_i32 = arith.constant 0 : i32
    %c0_i32_0 = arith.constant 0 : i32
    return %arg0, %c0_i32 : i32, i32
  }
}

</mosaic_0001>

<sc_bundles>
// kernel: kernel.6.cloned.1.call-start
scs
__scs_entry_jumppad:
0x0: {  	(pc) =	sbr.rel $0x88, $3  }
0x1: {  	(tag) =	ssettag $0x0;
	lr =	simm.s32 $0x1  }
0x2: {  	[smem:$0x3F9C] =	sst lr;
	_ =	strace $0xD0000000  }
0x3: {  	_ = 	snop  }
0x4: {  	_ = 	snop  }
0x5: {  	_ = 	snop  }
0x6: {  	_ = 	snop  }
0x7: {  	_ = 	snop  }
__scs_overlays_trampoline_lowered:
0x8: {  	[smem:$0x3FAB] =	sst s0  }
0x9: {  	[smem:$0x3FAC] =	sst s1  }
0xa: {  	[smem:$0x3FAD] =	sst s2  }
0xb: {  	[smem:$0x3FAE] =	sst s3  }
0xc: {  	[smem:$0x3FAF] =	sst s4  }
0xd: {  	[smem:$0x3FB0] =	sst s5  }
0xe: {  	[smem:$0x3FB1] =	sst s6  }
0xf: {  	[smem:$0x3FB2] =	sst s7  }
0x10: {  	[smem:$0x3FB3] =	sst s8  }
0x11: {  	[smem:$0x3FB4] =	sst s9;
	s0 =	simm.s32 @!p0 $0x0  }
0x12: {  	s1 =	sld [smem:$0x3F9A];
	s0 =	simm.s32 @p0 $0x1  }
0x13: {  	[smem:$0x3FB5] =	sst s0;
	s0 =	simm.s32 @!p1 $0x0  }
0x14: {  	s2 =	sld [smem:$0x3F99];
	s0 =	simm.s32 @p1 $0x1  }
0x15: {  	[smem:$0x3FB6] =	sst s0;
	s0 =	simm.s32 @!p2 $0x0  }
0x16: {  	s3 =	sld [smem:$0x3FDB];
	s0 =	simm.s32 @p2 $0x1  }
0x17: {  	s4 =	simm.s32 $0x1BF5;
	[smem:$0x3FB8] =	sst s0  }
0x18: {  	s0 =	sld [smem:$0x3F9B];
	_ =	swait.ge [sflag:s4], $0x0  }
0x19: {  	s7 =	sld [smem:$0x3F9C]  }
0x1a: {  	s8 =	sadd.s32 $0xFFFFE003, lr  }
0x1b: {  	s9 =	sadd.s32 $0xFFFFFEF7, lr;
	s5 =	simm.s32 $0xFFFFFFFF;
	p2 =	slt.u32 s8, $0xFFFFF086  }
0x1c: {  	p1 =	slt.u32 s9, $0xF7A;
	s5 =	simm.s32 @!p2 $0x0  }
0x1d: {  	s5 =	simm.s32 @p1 $0x1;
	p0 =	seq.s32 s7, s2  }
0x1e: {  	s7 =	smul.u32 @!p0 $0xF7A, s2;
	p2 =	seq.s32 @!p0 s5, $0x0  }
0x1f: {  	s9 =	smul.u32 $0xF7A, s1;
	s8 =	simm.s32 @!p0 $0x1BF5;
	p2 =	por !p2, p0  }
0x20: {  	[sflag:s8] =	ssyncset.s32 @!p0 $0xFFFFF086;
	s6 =	sadd.s32 @!p0 s3, s7;
	s7 =	simm.s32 @!p0 $0x108  }
0x21: {  	s3 =	sadd.s32 s3, s9;
	s6 =	sadd.s32 @!p0 $0x88, s6;
	s7 =	simm.s32 @p2 $0x1082  }
0x22: {  	[simem:s7], [sflag:s8] =	dma.local @!p0 [hbm:s6], $0xF7A  }
0x23: {  	s9 =	sor.u32 $0xD0000000, s2;
	s6 =	simm.s32 $0x108;
	_ =	swait.ge @!p0 [sflag:s8], $0x0  }
0x24: {  	s3 =	sadd.s32 $0x88, s3;
	s6 =	simm.s32 @!p1 $0x1082;
	[sflag:s4] =	ssyncset.s32 $0xFFFFF086  }
0x25: {  	[simem:s6], [sflag:s4] =	dma.local [hbm:s3], $0xF7A  }
0x26: {  	[smem:$0x3F9C] =	sst s1;
	(tag) =	ssettag s2;
	_ =	strace s9  }
0x27: {  	s1 =	sld [smem:$0x3FAC]  }
0x28: {  	s2 =	sld [smem:$0x3FAD]  }
0x29: {  	s4 =	sld [smem:$0x3FAF]  }
0x2a: {  	p0 =	seq.s32 s5, $0x0;
	s5 =	sld [smem:$0x3FB0]  }
0x2b: {  	s6 =	sld [smem:$0x3FB1]  }
0x2c: {  	s7 =	sld [smem:$0x3FB2]  }
0x2d: {  	s3 =	simm.s32 $0x108;
	s8 =	sld [smem:$0x3FB3]  }
0x2e: {  	s3 =	simm.s32 @!p0 $0x1082;
	s9 =	sld [smem:$0x3FB4]  }
0x2f: {  	lr =	sadd.s32 s0, s3;
	s0 =	sld [smem:$0x3FAB]  }
0x30: {  	s3 =	sld [smem:$0x3FAE]  }
0x31: {  	[smem:$0x3FB7] =	sst s10  }
0x32: {  	s10 =	sld [smem:$0x3FB5];
	_ =	sdelay $0x3  }
0x33: {  	p0 =	seq.s32 s10, $0x1;
	s10 =	sld [smem:$0x3FB7];
	_ =	sdelay $0x3  }
0x34: {  	[smem:$0x3FB7] =	sst s10  }
0x35: {  	s10 =	sld [smem:$0x3FB6];
	_ =	sdelay $0x3  }
0x36: {  	p1 =	seq.s32 s10, $0x1;
	s10 =	sld [smem:$0x3FB7];
	_ =	sdelay $0x3  }
0x37: {  	[smem:$0x3FB7] =	sst s10  }
0x38: {  	s10 =	sld [smem:$0x3FB8]  }
0x39: {  	_ = 	snop;
	(pc) =	sbr.ind lr, $3  }
0x3a: {  	_ = 	snop  }
0x3b: {  	_ = 	snop  }
0x3c: {  	p2 =	seq.s32 s10, $0x1;
	s10 =	sld [smem:$0x3FB7]  }
0x3d: {  	_ =	shalt  }
0x3e: {  	_ =	shalt  }
0x3f: {  	_ =	shalt  }
0x40: {  	_ =	shalt  }
0x41: {  	_ =	shalt  }
0x42: {  	_ =	shalt  }
0x43: {  	_ =	shalt  }
0x44: {  	_ =	shalt  }
0x45: {  	_ =	shalt  }
0x46: {  	_ =	shalt  }
0x47: {  	_ =	shalt  }
0x48: {  	_ =	shalt  }
0x49: {  	_ =	shalt  }
0x4a: {  	_ =	shalt  }
0x4b: {  	_ =	shalt  }
0x4c: {  	_ =	shalt  }
0x4d: {  	_ =	shalt  }
0x4e: {  	_ =	shalt  }
0x4f: {  	_ =	shalt  }
0x50: {  	_ =	shalt  }
0x51: {  	_ =	shalt  }
0x52: {  	_ =	shalt  }
0x53: {  	_ =	shalt  }
0x54: {  	_ =	shalt  }
0x55: {  	_ =	shalt  }
0x56: {  	_ =	shalt  }
0x57: {  	_ =	shalt  }
0x58: {  	_ =	shalt  }
0x59: {  	_ =	shalt  }
0x5a: {  	_ =	shalt  }
0x5b: {  	_ =	shalt  }
0x5c: {  	_ =	shalt  }
0x5d: {  	_ =	shalt  }
0x5e: {  	_ =	shalt  }
0x5f: {  	_ =	shalt  }
0x60: {  	_ =	shalt  }
0x61: {  	_ =	shalt  }
0x62: {  	_ =	shalt  }
0x63: {  	_ =	shalt  }
0x64: {  	_ =	shalt  }
0x65: {  	_ =	shalt  }
0x66: {  	_ =	shalt  }
0x67: {  	_ =	shalt  }
0x68: {  	_ =	shalt  }
0x69: {  	_ =	shalt  }
0x6a: {  	_ =	shalt  }
0x6b: {  	_ =	shalt  }
0x6c: {  	_ =	shalt  }
0x6d: {  	_ =	shalt  }
0x6e: {  	_ =	shalt  }
0x6f: {  	_ =	shalt  }
0x70: {  	_ =	shalt  }
0x71: {  	_ =	shalt  }
0x72: {  	_ =	shalt  }
0x73: {  	_ =	shalt  }
0x74: {  	_ =	shalt  }
0x75: {  	_ =	shalt  }
0x76: {  	_ =	shalt  }
0x77: {  	_ =	shalt  }
0x78: {  	_ =	shalt  }
0x79: {  	_ =	shalt  }
0x7a: {  	_ =	shalt  }
0x7b: {  	_ =	shalt  }
0x7c: {  	_ =	shalt  }
0x7d: {  	_ =	shalt  }
0x7e: {  	_ =	shalt  }
0x7f: {  	_ =	shalt  }
0x80: {  	_ =	shalt  }
0x81: {  	_ =	shalt  }
0x82: {  	_ =	shalt  }
0x83: {  	_ =	shalt  }
0x84: {  	_ =	shalt  }
0x85: {  	_ =	shalt  }
0x86: {  	_ =	shalt  }
0x87: {  	_ =	shalt  }
.Lfunc_end0:
.L_simem_size_0:
called_computation_lowered:
.L_overlay_start_0:
0x88: {  	s2 =	sld [smem:$0x3FD9]  }
0x89: {  	s3 =	sld [smem:$0x3FFE];
	_ =	sdelay $0x1  }
0x8a: {  	s1 =	srdreg.scid  }
0x8b: {  	s0 =	sand.u32 $0x1, s1  }
0x8c: {  	s17 =	sshll.u32 s0, $0xA;
	s2 =	sadd.s32 s3, s2  }
0x8d: {  	s2 =	sadd.s32 s2, s17  }
0x8e: {  	[smem:$0x3FC3] =	sst s2  }
0x8f: {  	_ = 	snop  }
0x90: {  	s2 =	sld [smem:$0x3FC9];
	(tm) =	ssettm $0x1  }
0x91: {  	s18 =	sld [smem:$0x3FFB];
	_ =	sdelay $0x3  }
0x92: {  	_ =	strace s18  }
0x93: {  	s3 =	sld [smem:$0x3FFC];
	_ =	sdelay $0x3  }
0x94: {  	_ =	strace s3  }
0x95: {  	s3 =	sld [smem:$0x3FFD];
	_ =	sdelay $0x3  }
0x96: {  	_ =	strace s3  }
0x97: {  	_ =	strace $0x8FFFFFFF  }
0x98: {  	s19 =	sld [smem:$0x3FDB];
	_ =	sdelay $0x1  }
0x99: {  	s4 =	simm.s32 $_scs_section_size  }
0x9a: {  	s5 =	simm.s32 $_size__tile_overlayer_lowered;
	s6 =	simm.s32 $_tile_overlayer_lowered  }
0x9b: {  	s22 =	simm.s32 $0x1BFF;
	s21 =	sshll.u32 s6, $0x1;
	s3 =	sadd.s32 s4, s19  }
0x9c: {  	s7 =	simm.s32 $0x0;
	s20 =	sshll.u32 s5, $0x1;
	s5 =	sadd.s32 s21, s3  }
0x9d: {  	[timem:s7], [sflag:s22] =	dma.local [hbm:s5], s20  }
0x9e: {  	_ =	swait.ge [sflag:s22], s20  }
0x9f: {  	s4 =	ssub.s32 $0x0, s20;
	[sflag:s22] =	ssyncset.done $0x0  }
0xa0: {  	[sflag:s22] =	ssyncadd.s32 s4;
	_ =	sdelay $0x1  }
0xa1: {  	s23 =	simm.s32 $0x1B8B  }
0xa2: {  	_ =	swait.ge [sflag:s23], $0x1  }
0xa3: {  	[sflag:s23] =	ssyncset.done $0x0  }
0xa4: {  	s25 =	simm.s32 $0x1B8E;
	s24 =	sld [smem:$0x3FFE];
	[sflag:s23] =	ssyncadd.s32 $0xFFFFFFFF  }
0xa5: {  	s26 =	simm.s32 $execute0_lowered;
	[smem:$0x3FD2] =	sst s25  }
0xa6: {  	s5 =	sshll.u32 s26, $0x1;
	_ =	strace $0x80000046;
	[dreg:$0x1] =	wrdreg $0xFFFFFFFF  }
0xa7: {  	s28 =	simm.s32 $_size_execute0_lowered;
	s3 =	sadd.s32 s3, s5;
	[dreg:$0x0] =	wrdreg $0x0  }
0xa8: {  	s5 =	sshll.u32 s28, $0x1;
	[dreg:$0x2] =	wrdreg s3  }
0xa9: {  	[dreg:$0x3] =	wrdreg s5  }
0xaa: {  	[dreg:$0x4] =	wrdreg $0xC0  }
0xab: {  	_ =	task [dreg:s7], $0x5FFFF  }
0xac: {  	[dreg:$0x1] =	wrdreg $0xFFFFFFFF  }
0xad: {  	[dreg:$0x0] =	wrdreg $0x60  }
0xae: {  	[dreg:$0x2] =	wrdreg s2  }
0xaf: {  	[dreg:$0x3] =	wrdreg s24  }
0xb0: {  	[dreg:$0x4] =	wrdreg $0x9  }
0xb1: {  	_ =	task.clear_ibuf [dreg:s7], $0x5FFFF;
	_ =	strace $0x90000046  }
0xb2: {  	s29 =	simm.s32 $0x9;
	_ =	strace $0x80000048  }
0xb3: {  	_ =	swait.ge [sflag:s29], $0x1  }
0xb4: {  	[sflag:s29] =	ssyncadd.s32 $0xFFFFFFFF  }
0xb5: {  	_ =	strace $0x90000048  }
0xb6: {  	_ =	sfence  }
0xb7: {  	s30 =	sld [smem:$0x0];
	_ =	sdelay $0x2  }
0xb8: {  	s31 =	sshll.u32 s1, $0xD;
	s1 =	sshrl.u32 s1, $0x2  }
0xb9: {  	s3 =	sand.u32 $0x4000, s31;
	s1 =	sadd.s32 s1, s30  }
0xba: {  	s0 =	sor.u32 s3, s0;
	s1 =	sshll.u32 s1, $0x11  }
0xbb: {  	s0 =	sor.u32 s1, s0  }
0xbc: {  	s0 =	sadd.s32 $0x8F2B, s0  }
0xbd: {  	[sflag:s0] =	ssyncadd.remote.s32 $0x1  }
0xbe: {  	_ =	sfence.sel $0xFFFF  }
0xbf: {  	[dreg:$0x0] =	wrdreg $0xFFFFFFFF;
	(pc) =	sbr.abs _section_cstart, $3  }
0xc0: {  	[dreg:$0x1] =	wrdreg $0xFFFFFFFF  }
0xc1: {  	_ =	task.clear_ibuf [dreg:s7], $0x2FFFF;
	_ =	strace $0x9FFFFFFF  }
0xc2: {  	(tm) =	ssettm $0x7FFFFFFF  }
0xc3: {  	_ =	shalt  }
tec
execute0_lowered:
.L_overlay_start_1:
0x0: {  	(tag) =	ssettag $0x1  }
0x1: {  	s1 =	srdreg.scid  }
0x2: {  	s0 =	stileid.u32;
	s4 =	rddreg [dreg:$0x0]  }
0x3: {  	s6 =	rddreg [dreg:$0x1];
	s18 =	simm.s32 $0xA00;
	s19 =	simm.s32 $0x1200  }
0x4: {  	s20 =	simm.s32 $0x1A00;
	s9 =	simm.s32 $0x200;
	s21 =	simm.s32 $0x2200  }
0x5: {  	s10 =	simm.s32 $0x3200;
	s1 =	sand.u32 $0x1, s1;
	s2 =	sshll.u32 s0, $0x1  }
0x6: {  	s22 =	simm.s32 $0x2A00;
	s3 =	sor.u32 s1, s2;
	s2 =	simm.s32 $0x0  }
0x7: {  	s11 =	simm.s32 $0x6200;
	s23 =	simm.s32 $0x3A00;
	[smem:$0x7FF] =	sst s2  }
0x8: {  	s12 =	simm.s32 $0x9200;
	_ =	strace $0x80000047;
	[dreg:$0x7] =	wrdreg s18  }
0x9: {  	s24 =	simm.s32 $0x4200;
	s13 =	simm.s32 $0x1;
	[dreg:$0x8] =	wrdreg s19  }
0xa: {  	s25 =	simm.s32 $0x4A00;
	s26 =	simm.s32 $0x5200;
	[dreg:$0x9] =	wrdreg s20  }
0xb: {  	s28 =	simm.s32 $0xBA00;
	s29 =	simm.s32 $0x5;
	[dreg:$0xa] =	wrdreg s21  }
0xc: {  	s30 =	simm.s32 $0x6;
	s31 =	simm.s32 $0x7;
	[dreg:$0xb] =	wrdreg s22  }
0xd: {  	s1 =	ssub.s32 $0x2, s1;
	s5 =	smul.u32 $0x1800, s3;
	[dreg:$0xc] =	wrdreg s23  }
0xe: {  	s7 =	smul.u32 $0xC000, s3;
	s3 =	sshll.u32 s3, $0x6;
	[dreg:$0xd] =	wrdreg s24  }
0xf: {  	s16 =	sshrl.u32 s1, $0x1;
	s8 =	sadd.s32 s6, s3;
	[dreg:$0xe] =	wrdreg s25  }
0x10: {  	s1 =	ssub.s32 s1, s16;
	[dreg:$0xf] =	wrdreg s26;
	s16 =	simm.s32 $0x3  }
0x11: {  	s18 =	simm.s32 $0x7200;
	s19 =	simm.s32 $0x7A00;
	s20 =	simm.s32 $0x8200  }
0x12: {  	s21 =	simm.s32 $0x8A00;
	s22 =	simm.s32 $0x4;
	s23 =	simm.s32 $0x9A00  }
0x13: {  	s24 =	simm.s32 $0xA200;
	s25 =	simm.s32 $0xAA00;
	s26 =	simm.s32 $0xB200  }
0x14: {  	s3 =	sadd.s32 s4, s5;
	s14 =	sshrl.u32 s7, $0x3;
	[dreg:$0x3] =	wrdreg s8  }
0x15: {  	s7 =	smax.u32 s1, $0x1;
	s15 =	sadd.s32 $0x600, s3;
	s4 =	sadd.s32 s4, s14  }
0x16: {  	s8 =	simm.s32 $0x9;
	[dreg:$0x4] =	wrdreg s15;
	s5 =	sadd.s32 $0xC00, s4  }
0x17: {  	v2 =	vlaneseq.u32;
	s1 =	simm.s32 $0x8;
	s17 =	sadd.s32 $0x1200, s4;
	[dreg:$0x5] =	wrdreg s5  }
0x18: {  	vm0 =	vmmov $0xffff;
	v1 =	vshrl.u32 v2, $0x3;
	s14 =	simm.s32 $0x2;
	s4 =	sadd.s32 $0x800, s6;
	[dreg:$0x6] =	wrdreg s17  }
0x19: {  	v0 =	vand.u32 $0x7, v2;
	v2 =	vor.u32 $0x8, v2;
	v1 =	vmul.u32 $0x8, v1;
	s5 =	sadd.s32 $0x900, s6;
	s6 =	sadd.s32 $0xA00, s6;
	s17 =	simm.s32 $0x6A00  }
.LBB2_1:
0x1a: {  	s0 =	rddreg [dreg:$0x3]  }
0x1b: {  	[tilespmem:s2], [sflag:$0x9] =	stream.linear.gather [hbm4b:s0+s2], $0x200, $0x38;
	[tilespmem:$0xC200] =	vst v63  }
0x1c: {  	_ =	swait.ge [sflag:s8], $0x200  }
0x1d: {  	[sflag:s8] =	ssyncset.done $0x0  }
0x1e: {  	[sflag:s8] =	ssyncadd.s32 $0xFFFFFE00  }
0x1f: {  	[tilespmem:s9], [sflag:$0x1] =	stream.linear.gather [hbm4b:s3+s2], $0x3000, $0x38;
	[tilespmem:$0xC200] =	vst v63  }
0x20: {  	s0 =	rddreg [dreg:$0x4]  }
0x21: {  	[tilespmem:s10], [sflag:$0x2] =	stream.linear.gather [hbm4b:s0+s2], $0x3000, $0x38;
	[tilespmem:$0xC200] =	vst v63  }
0x22: {  	s15 =	rddreg [dreg:$0x5]  }
0x23: {  	[tilespmem:s11], [sflag:$0x3] =	stream.linear.gather [hbm4b:s15+s2], $0x3000, $0x38;
	[tilespmem:$0xC200] =	vst v63  }
0x24: {  	s0 =	rddreg [dreg:$0x6]  }
0x25: {  	[tilespmem:s12], [sflag:$0x4] =	stream.linear.gather [hbm4b:s0+s2], $0x3000, $0x38;
	[tilespmem:$0xC200] =	vst v63  }
0x26: {  	_ =	swait.ge [sflag:s13], $0x3000  }
0x27: {  	[sflag:s13] =	ssyncset.done $0x0  }
0x28: {  	[sflag:s13] =	ssyncadd.s32 $0xFFFFD000  }
0x29: {  	v3 =	vld [tilespmem:$0x0];
	_ =	sdelay $0x4  }
0x2a: {  	v4 =	vshrl.u32 v3, $0x3  }
0x2b: {  	v4 =	vmul.u32 $0x30, v4  }
0x2c: {  	v3 =	vand.u32 $0x7, v3  }
0x2d: {  	v3 =	vor.u32 v3, v4  }
0x2e: {  	v4 =	vperm.xlane v3, v0;
	_ =	sdelay $0x1  }
0x2f: {  	v4 =	vadd.s32 v1, v4;
	_ =	sdelay $0x3  }
0x30: {  	v3 =	vperm.xlane v3, v2  }
0x31: {  	[hbm4b:s4+s2] =	stream.indirect_vreg.scatter [tilespmem:s9], [sflag:$0x5], $0x80, v4, vm0, $0xb8;
	[tilespmem:$0xC200] =	vst v63  }
0x32: {  	s0 =	rddreg [dreg:$0x7];
	v3 =	vadd.s32 v1, v3  }
0x33: {  	[hbm4b:s5+s2] =	stream.indirect_vreg.scatter [tilespmem:s0], [sflag:$0x5], $0x80, v4, vm0, $0xb8;
	[tilespmem:$0xC200] =	vst v63  }
0x34: {  	s15 =	rddreg [dreg:$0x8]  }
0x35: {  	[hbm4b:s6+s2] =	stream.indirect_vreg.scatter [tilespmem:s15], [sflag:$0x5], $0x80, v4, vm0, $0xb8;
	[tilespmem:$0xC200] =	vst v63  }
0x36: {  	s0 =	rddreg [dreg:$0x9]  }
0x37: {  	[hbm4b:s4+s2] =	stream.indirect_vreg.scatter [tilespmem:s0], [sflag:$0x5], $0x80, v3, vm0, $0xb8;
	[tilespmem:$0xC200] =	vst v63  }
0x38: {  	s15 =	rddreg [dreg:$0xa]  }
0x39: {  	[hbm4b:s5+s2] =	stream.indirect_vreg.scatter [tilespmem:s15], [sflag:$0x5], $0x80, v3, vm0, $0xb8;
	[tilespmem:$0xC200] =	vst v63  }
0x3a: {  	s0 =	rddreg [dreg:$0xb]  }
0x3b: {  	[hbm4b:s6+s2] =	stream.indirect_vreg.scatter [tilespmem:s0], [sflag:$0x5], $0x80, v3, vm0, $0xb8;
	[tilespmem:$0xC200] =	vst v63  }
0x3c: {  	_ =	swait.ge [sflag:s14], $0x3000  }
0x3d: {  	[sflag:s14] =	ssyncset.done $0x0  }
0x3e: {  	[sflag:s14] =	ssyncadd.s32 $0xFFFFD000  }
0x3f: {  	v3 =	vld [tilespmem:$0x80];
	_ =	sdelay $0x4  }
0x40: {  	v61 =	vshrl.u32 v3, $0x3  }
0x41: {  	v4 =	vmul.u32 $0x30, v61  }
0x42: {  	v3 =	vand.u32 $0x7, v3  }
0x43: {  	v3 =	vor.u32 v3, v4  }
0x44: {  	v4 =	vperm.xlane v3, v0;
	_ =	sdelay $0x1  }
0x45: {  	v4 =	vadd.s32 v1, v4;
	_ =	sdelay $0x3  }
0x46: {  	v3 =	vperm.xlane v3, v2  }
0x47: {  	[hbm4b:s4+s2] =	stream.indirect_vreg.scatter [tilespmem:s10], [sflag:$0x6], $0x80, v4, vm0, $0xb8;
	[tilespmem:$0xC200] =	vst v63  }
0x48: {  	s0 =	rddreg [dreg:$0xc];
	v3 =	vadd.s32 v1, v3  }
0x49: {  	[hbm4b:s5+s2] =	stream.indirect_vreg.scatter [tilespmem:s0], [sflag:$0x6], $0x80, v4, vm0, $0xb8;
	[tilespmem:$0xC200] =	vst v63  }
0x4a: {  	s15 =	rddreg [dreg:$0xd]  }
0x4b: {  	[hbm4b:s6+s2] =	stream.indirect_vreg.scatter [tilespmem:s15], [sflag:$0x6], $0x80, v4, vm0, $0xb8;
	[tilespmem:$0xC200] =	vst v63  }
0x4c: {  	s0 =	rddreg [dreg:$0xe]  }
0x4d: {  	[hbm4b:s4+s2] =	stream.indirect_vreg.scatter [tilespmem:s0], [sflag:$0x6], $0x80, v3, vm0, $0xb8;
	[tilespmem:$0xC200] =	vst v63  }
0x4e: {  	s15 =	rddreg [dreg:$0xf]  }
0x4f: {  	[hbm4b:s5+s2] =	stream.indirect_vreg.scatter [tilespmem:s15], [sflag:$0x6], $0x80, v3, vm0, $0xb8;
	[tilespmem:$0xC200] =	vst v63  }
0x50: {  	s15 =	simm.s32 $0x5A00  }
0x51: {  	[hbm4b:s6+s2] =	stream.indirect_vreg.scatter [tilespmem:s15], [sflag:$0x6], $0x80, v3, vm0, $0xb8;
	[tilespmem:$0xC200] =	vst v63  }
0x52: {  	_ =	swait.ge [sflag:s16], $0x3000  }
0x53: {  	[sflag:s16] =	ssyncset.done $0x0  }
0x54: {  	[sflag:s16] =	ssyncadd.s32 $0xFFFFD000  }
0x55: {  	v3 =	vld [tilespmem:$0x100];
	_ =	sdelay $0x4  }
0x56: {  	v62 =	vshrl.u32 v3, $0x3  }
0x57: {  	v4 =	vmul.u32 $0x30, v62  }
0x58: {  	v3 =	vand.u32 $0x7, v3  }
0x59: {  	v3 =	vor.u32 v3, v4  }
0x5a: {  	v4 =	vperm.xlane v3, v0;
	_ =	sdelay $0x1  }
0x5b: {  	v4 =	vadd.s32 v1, v4;
	_ =	sdelay $0x3  }
0x5c: {  	v3 =	vperm.xlane v3, v2  }
0x5d: {  	[hbm4b:s4+s2] =	stream.indirect_vreg.scatter [tilespmem:s11], [sflag:$0x7], $0x80, v4, vm0, $0xb8;
	[tilespmem:$0xC200] =	vst v63  }
0x5e: {  	v3 =	vadd.s32 v1, v3  }
0x5f: {  	[hbm4b:s5+s2] =	stream.indirect_vreg.scatter [tilespmem:s17], [sflag:$0x7], $0x80, v4, vm0, $0xb8;
	[tilespmem:$0xC200] =	vst v63  }
0x60: {  	_ = 	snop  }
0x61: {  	[hbm4b:s6+s2] =	stream.indirect_vreg.scatter [tilespmem:s18], [sflag:$0x7], $0x80, v4, vm0, $0xb8;
	[tilespmem:$0xC200] =	vst v63  }
0x62: {  	_ = 	snop  }
0x63: {  	[hbm4b:s4+s2] =	stream.indirect_vreg.scatter [tilespmem:s19], [sflag:$0x7], $0x80, v3, vm0, $0xb8;
	[tilespmem:$0xC200] =	vst v63  }
0x64: {  	_ = 	snop  }
0x65: {  	[hbm4b:s5+s2] =	stream.indirect_vreg.scatter [tilespmem:s20], [sflag:$0x7], $0x80, v3, vm0, $0xb8;
	[tilespmem:$0xC200] =	vst v63  }
0x66: {  	_ = 	snop  }
0x67: {  	[hbm4b:s6+s2] =	stream.indirect_vreg.scatter [tilespmem:s21], [sflag:$0x7], $0x80, v3, vm0, $0xb8;
	[tilespmem:$0xC200] =	vst v63  }
0x68: {  	_ =	swait.ge [sflag:s22], $0x3000  }
0x69: {  	[sflag:s22] =	ssyncset.done $0x0  }
0x6a: {  	[sflag:s22] =	ssyncadd.s32 $0xFFFFD000  }
0x6b: {  	v3 =	vld [tilespmem:$0x180];
	_ =	sdelay $0x4  }
0x6c: {  	v63 =	vshrl.u32 v3, $0x3  }
0x6d: {  	v4 =	vmul.u32 $0x30, v63  }
0x6e: {  	v3 =	vand.u32 $0x7, v3  }
0x6f: {  	v3 =	vor.u32 v3, v4  }
0x70: {  	v4 =	vperm.xlane v3, v0;
	_ =	sdelay $0x1  }
0x71: {  	v4 =	vadd.s32 v1, v4;
	_ =	sdelay $0x3  }
0x72: {  	v3 =	vperm.xlane v3, v2  }
0x73: {  	[hbm4b:s4+s2] =	stream.indirect_vreg.scatter [tilespmem:s12], [sflag:$0x8], $0x80, v4, vm0, $0xb8;
	[tilespmem:$0xC200] =	vst v63  }
0x74: {  	v3 =	vadd.s32 v1, v3  }
0x75: {  	[hbm4b:s5+s2] =	stream.indirect_vreg.scatter [tilespmem:s23], [sflag:$0x8], $0x80, v4, vm0, $0xb8;
	[tilespmem:$0xC200] =	vst v63  }
0x76: {  	_ = 	snop  }
0x77: {  	[hbm4b:s6+s2] =	stream.indirect_vreg.scatter [tilespmem:s24], [sflag:$0x8], $0x80, v4, vm0, $0xb8;
	[tilespmem:$0xC200] =	vst v63  }
0x78: {  	_ = 	snop  }
0x79: {  	[hbm4b:s4+s2] =	stream.indirect_vreg.scatter [tilespmem:s25], [sflag:$0x8], $0x80, v3, vm0, $0xb8;
	[tilespmem:$0xC200] =	vst v63  }
0x7a: {  	_ = 	snop  }
0x7b: {  	[hbm4b:s5+s2] =	stream.indirect_vreg.scatter [tilespmem:s26], [sflag:$0x8], $0x80, v3, vm0, $0xb8;
	[tilespmem:$0xC200] =	vst v63  }
0x7c: {  	_ = 	snop  }
0x7d: {  	[hbm4b:s6+s2] =	stream.indirect_vreg.scatter [tilespmem:s28], [sflag:$0x8], $0x80, v3, vm0, $0xb8;
	[tilespmem:$0xC200] =	vst v63  }
0x7e: {  	_ =	swait.ge [sflag:s29], $0x3000  }
0x7f: {  	[sflag:s29] =	ssyncset.done $0x0  }
0x80: {  	[sflag:s29] =	ssyncadd.s32 $0xFFFFD000  }
0x81: {  	_ =	swait.ge [sflag:s30], $0x3000  }
0x82: {  	[sflag:s30] =	ssyncset.done $0x0  }
0x83: {  	[sflag:s30] =	ssyncadd.s32 $0xFFFFD000  }
0x84: {  	p0 =	sne.s32 s7, $0x1;
	_ =	swait.ge [sflag:s31], $0x3000  }
.Ltmp0:
0x85: {  	[sflag:s31] =	ssyncset.done $0x0;
	(pc) =	sbr.rel @p0 .LBB2_1-.Ltmp0, $4  }
0x86: {  	[sflag:s31] =	ssyncadd.s32 $0xFFFFD000  }
0x87: {  	_ =	swait.ge [sflag:s1], $0x3000  }
0x88: {  	[sflag:s1] =	ssyncset.done $0x0  }
0x89: {  	s7 =	sadd.s32 $0xFFFFFFFF, s7;
	[sflag:s1] =	ssyncadd.s32 $0xFFFFD000  }
0x8a: {  	_ =	sfence.sel $0x180000  }
0x8b: {  	[bflag:$0x0] =	sbarrier.arrive $0xFFFF  }
0x8c: {  	_ =	strace $0x90000047  }
0x8d: {  	s0 =	stileid.u32;
	[bflag:$0x2] =	sbarrier.arrive $0xFFFF  }
0x8e: {  	p0 =	sne.s32 s0, $0x0;
	s0 =	rddreg [dreg:$0x2]  }
0x8f: {  	s0 =	sadd.s32 @!p0 $0x100000, s0  }
0x90: {  	[sflag:s0] =	ssyncadd.tile.s32 @!p0 $0x1;
	_ =	shalt  }
.Lfunc_end2:
_tile_overlayer_lowered:
.L_overlay_start_2:
0x91: {  	(tag) =	ssettag $0x2  }
0x92: {  	s0 =	rddreg [dreg:$0x0];
	s2 =	stileid.u32  }
0x93: {  	s1 =	rddreg [dreg:$0x1];
	p0 =	sne.s32 s2, $0x0  }
0x94: {  	s3 =	rddreg [dreg:$0x2];
	[bflag:$0x3] =	sbarrier.arrive $0xFFFF;
	s2 =	simm.s32 @!p0 $0x1C09  }
0x95: {  	[timem:s3], [sflag:s2] =	dma.local @!p0 [hbm:s0], s1  }
0x96: {  	s0 =	simm.s32 @!p0 $0x9  }
0x97: {  	_ =	swait.ge @!p0 [sflag:s0], s1  }
0x98: {  	s1 =	ssub.s32 @!p0 $0x0, s1;
	[sflag:s0] =	ssyncset.done @!p0 $0x0  }
0x99: {  	[sflag:s0] =	ssyncadd.s32 @!p0 s1  }
0x9a: {  	[bflag:$0x3] =	sbarrier.arrive $0xFFFF  }
0x9b: {  	_ =	shalt  }

// kernel: kernel.9.cloned.1.call-start
scs
__scs_entry_jumppad:
0x0: {  	(pc) =	sbr.rel $0x88, $3  }
0x1: {  	(tag) =	ssettag $0x0;
	lr =	simm.s32 $0x1  }
0x2: {  	[smem:$0x3F9C] =	sst lr;
	_ =	strace $0xD0000000  }
0x3: {  	_ = 	snop  }
0x4: {  	_ = 	snop  }
0x5: {  	_ = 	snop  }
0x6: {  	_ = 	snop  }
0x7: {  	_ = 	snop  }
__scs_overlays_trampoline_lowered:
0x8: {  	[smem:$0x3FAB] =	sst s0  }
0x9: {  	[smem:$0x3FAC] =	sst s1  }
0xa: {  	[smem:$0x3FAD] =	sst s2  }
0xb: {  	[smem:$0x3FAE] =	sst s3  }
0xc: {  	[smem:$0x3FAF] =	sst s4  }
0xd: {  	[smem:$0x3FB0] =	sst s5  }
0xe: {  	[smem:$0x3FB1] =	sst s6  }
0xf: {  	[smem:$0x3FB2] =	sst s7  }
0x10: {  	[smem:$0x3FB3] =	sst s8  }
0x11: {  	[smem:$0x3FB4] =	sst s9;
	s0 =	simm.s32 @!p0 $0x0  }
0x12: {  	s1 =	sld [smem:$0x3F9A];
	s0 =	simm.s32 @p0 $0x1  }
0x13: {  	[smem:$0x3FB5] =	sst s0;
	s0 =	simm.s32 @!p1 $0x0  }
0x14: {  	s2 =	sld [smem:$0x3F99];
	s0 =	simm.s32 @p1 $0x1  }
0x15: {  	[smem:$0x3FB6] =	sst s0;
	s0 =	simm.s32 @!p2 $0x0  }
0x16: {  	s3 =	sld [smem:$0x3FDB];
	s0 =	simm.s32 @p2 $0x1  }
0x17: {  	s4 =	simm.s32 $0x1BF5;
	[smem:$0x3FB8] =	sst s0  }
0x18: {  	s0 =	sld [smem:$0x3F9B];
	_ =	swait.ge [sflag:s4], $0x0  }
0x19: {  	s7 =	sld [smem:$0x3F9C]  }
0x1a: {  	s8 =	sadd.s32 $0xFFFFE003, lr  }
0x1b: {  	s9 =	sadd.s32 $0xFFFFFEF7, lr;
	s5 =	simm.s32 $0xFFFFFFFF;
	p2 =	slt.u32 s8, $0xFFFFF086  }
0x1c: {  	p1 =	slt.u32 s9, $0xF7A;
	s5 =	simm.s32 @!p2 $0x0  }
0x1d: {  	s5 =	simm.s32 @p1 $0x1;
	p0 =	seq.s32 s7, s2  }
0x1e: {  	s7 =	smul.u32 @!p0 $0xF7A, s2;
	p2 =	seq.s32 @!p0 s5, $0x0  }
0x1f: {  	s9 =	smul.u32 $0xF7A, s1;
	s8 =	simm.s32 @!p0 $0x1BF5;
	p2 =	por !p2, p0  }
0x20: {  	[sflag:s8] =	ssyncset.s32 @!p0 $0xFFFFF086;
	s6 =	sadd.s32 @!p0 s3, s7;
	s7 =	simm.s32 @!p0 $0x108  }
0x21: {  	s3 =	sadd.s32 s3, s9;
	s6 =	sadd.s32 @!p0 $0x88, s6;
	s7 =	simm.s32 @p2 $0x1082  }
0x22: {  	[simem:s7], [sflag:s8] =	dma.local @!p0 [hbm:s6], $0xF7A  }
0x23: {  	s9 =	sor.u32 $0xD0000000, s2;
	s6 =	simm.s32 $0x108;
	_ =	swait.ge @!p0 [sflag:s8], $0x0  }
0x24: {  	s3 =	sadd.s32 $0x88, s3;
	s6 =	simm.s32 @!p1 $0x1082;
	[sflag:s4] =	ssyncset.s32 $0xFFFFF086  }
0x25: {  	[simem:s6], [sflag:s4] =	dma.local [hbm:s3], $0xF7A  }
0x26: {  	[smem:$0x3F9C] =	sst s1;
	(tag) =	ssettag s2;
	_ =	strace s9  }
0x27: {  	s1 =	sld [smem:$0x3FAC]  }
0x28: {  	s2 =	sld [smem:$0x3FAD]  }
0x29: {  	s4 =	sld [smem:$0x3FAF]  }
0x2a: {  	p0 =	seq.s32 s5, $0x0;
	s5 =	sld [smem:$0x3FB0]  }
0x2b: {  	s6 =	sld [smem:$0x3FB1]  }
0x2c: {  	s7 =	sld [smem:$0x3FB2]  }
0x2d: {  	s3 =	simm.s32 $0x108;
	s8 =	sld [smem:$0x3FB3]  }
0x2e: {  	s3 =	simm.s32 @!p0 $0x1082;
	s9 =	sld [smem:$0x3FB4]  }
0x2f: {  	lr =	sadd.s32 s0, s3;
	s0 =	sld [smem:$0x3FAB]  }
0x30: {  	s3 =	sld [smem:$0x3FAE]  }
0x31: {  	[smem:$0x3FB7] =	sst s10  }
0x32: {  	s10 =	sld [smem:$0x3FB5];
	_ =	sdelay $0x3  }
0x33: {  	p0 =	seq.s32 s10, $0x1;
	s10 =	sld [smem:$0x3FB7];
	_ =	sdelay $0x3  }
0x34: {  	[smem:$0x3FB7] =	sst s10  }
0x35: {  	s10 =	sld [smem:$0x3FB6];
	_ =	sdelay $0x3  }
0x36: {  	p1 =	seq.s32 s10, $0x1;
	s10 =	sld [smem:$0x3FB7];
	_ =	sdelay $0x3  }
0x37: {  	[smem:$0x3FB7] =	sst s10  }
0x38: {  	s10 =	sld [smem:$0x3FB8]  }
0x39: {  	_ = 	snop;
	(pc) =	sbr.ind lr, $3  }
0x3a: {  	_ = 	snop  }
0x3b: {  	_ = 	snop  }
0x3c: {  	p2 =	seq.s32 s10, $0x1;
	s10 =	sld [smem:$0x3FB7]  }
0x3d: {  	_ =	shalt  }
0x3e: {  	_ =	shalt  }
0x3f: {  	_ =	shalt  }
0x40: {  	_ =	shalt  }
0x41: {  	_ =	shalt  }
0x42: {  	_ =	shalt  }
0x43: {  	_ =	shalt  }
0x44: {  	_ =	shalt  }
0x45: {  	_ =	shalt  }
0x46: {  	_ =	shalt  }
0x47: {  	_ =	shalt  }
0x48: {  	_ =	shalt  }
0x49: {  	_ =	shalt  }
0x4a: {  	_ =	shalt  }
0x4b: {  	_ =	shalt  }
0x4c: {  	_ =	shalt  }
0x4d: {  	_ =	shalt  }
0x4e: {  	_ =	shalt  }
0x4f: {  	_ =	shalt  }
0x50: {  	_ =	shalt  }
0x51: {  	_ =	shalt  }
0x52: {  	_ =	shalt  }
0x53: {  	_ =	shalt  }
0x54: {  	_ =	shalt  }
0x55: {  	_ =	shalt  }
0x56: {  	_ =	shalt  }
0x57: {  	_ =	shalt  }
0x58: {  	_ =	shalt  }
0x59: {  	_ =	shalt  }
0x5a: {  	_ =	shalt  }
0x5b: {  	_ =	shalt  }
0x5c: {  	_ =	shalt  }
0x5d: {  	_ =	shalt  }
0x5e: {  	_ =	shalt  }
0x5f: {  	_ =	shalt  }
0x60: {  	_ =	shalt  }
0x61: {  	_ =	shalt  }
0x62: {  	_ =	shalt  }
0x63: {  	_ =	shalt  }
0x64: {  	_ =	shalt  }
0x65: {  	_ =	shalt  }
0x66: {  	_ =	shalt  }
0x67: {  	_ =	shalt  }
0x68: {  	_ =	shalt  }
0x69: {  	_ =	shalt  }
0x6a: {  	_ =	shalt  }
0x6b: {  	_ =	shalt  }
0x6c: {  	_ =	shalt  }
0x6d: {  	_ =	shalt  }
0x6e: {  	_ =	shalt  }
0x6f: {  	_ =	shalt  }
0x70: {  	_ =	shalt  }
0x71: {  	_ =	shalt  }
0x72: {  	_ =	shalt  }
0x73: {  	_ =	shalt  }
0x74: {  	_ =	shalt  }
0x75: {  	_ =	shalt  }
0x76: {  	_ =	shalt  }
0x77: {  	_ =	shalt  }
0x78: {  	_ =	shalt  }
0x79: {  	_ =	shalt  }
0x7a: {  	_ =	shalt  }
0x7b: {  	_ =	shalt  }
0x7c: {  	_ =	shalt  }
0x7d: {  	_ =	shalt  }
0x7e: {  	_ =	shalt  }
0x7f: {  	_ =	shalt  }
0x80: {  	_ =	shalt  }
0x81: {  	_ =	shalt  }
0x82: {  	_ =	shalt  }
0x83: {  	_ =	shalt  }
0x84: {  	_ =	shalt  }
0x85: {  	_ =	shalt  }
0x86: {  	_ =	shalt  }
0x87: {  	_ =	shalt  }
.Lfunc_end0:
.L_simem_size_0:
called_computation.1_lowered:
.L_overlay_start_0:
0x88: {  	s2 =	sld [smem:$0x3FD9]  }
0x89: {  	s3 =	sld [smem:$0x3FFE];
	_ =	sdelay $0x1  }
0x8a: {  	s1 =	srdreg.scid  }
0x8b: {  	s0 =	sand.u32 $0x1, s1  }
0x8c: {  	s17 =	sshll.u32 s0, $0xA;
	s2 =	sadd.s32 s3, s2  }
0x8d: {  	s2 =	sadd.s32 s2, s17  }
0x8e: {  	[smem:$0x3FC3] =	sst s2  }
0x8f: {  	_ = 	snop  }
0x90: {  	s2 =	sld [smem:$0x3FD0];
	(tm) =	ssettm $0x1  }
0x91: {  	s18 =	sld [smem:$0x3FFB];
	_ =	sdelay $0x3  }
0x92: {  	_ =	strace s18  }
0x93: {  	s3 =	sld [smem:$0x3FFC];
	_ =	sdelay $0x3  }
0x94: {  	_ =	strace s3  }
0x95: {  	s3 =	sld [smem:$0x3FFD];
	_ =	sdelay $0x3  }
0x96: {  	_ =	strace s3  }
0x97: {  	_ =	strace $0x8FFFFFFF  }
0x98: {  	s19 =	sld [smem:$0x3FDB];
	_ =	sdelay $0x1  }
0x99: {  	s4 =	simm.s32 $_scs_section_size  }
0x9a: {  	s5 =	simm.s32 $_size__tile_overlayer_lowered;
	s6 =	simm.s32 $_tile_overlayer_lowered  }
0x9b: {  	s22 =	simm.s32 $0x1BFF;
	s21 =	sshll.u32 s6, $0x1;
	s3 =	sadd.s32 s4, s19  }
0x9c: {  	s7 =	simm.s32 $0x0;
	s20 =	sshll.u32 s5, $0x1;
	s5 =	sadd.s32 s21, s3  }
0x9d: {  	[timem:s7], [sflag:s22] =	dma.local [hbm:s5], s20  }
0x9e: {  	_ =	swait.ge [sflag:s22], s20  }
0x9f: {  	s4 =	ssub.s32 $0x0, s20;
	[sflag:s22] =	ssyncset.done $0x0  }
0xa0: {  	[sflag:s22] =	ssyncadd.s32 s4;
	_ =	sdelay $0x1  }
0xa1: {  	s23 =	simm.s32 $0x1B8B  }
0xa2: {  	_ =	swait.ge [sflag:s23], $0x1  }
0xa3: {  	[sflag:s23] =	ssyncset.done $0x0  }
0xa4: {  	s25 =	simm.s32 $0x1B8E;
	s24 =	sld [smem:$0x3FFE];
	[sflag:s23] =	ssyncadd.s32 $0xFFFFFFFF  }
0xa5: {  	s26 =	simm.s32 $execute0_lowered;
	[smem:$0x3FD2] =	sst s25  }
0xa6: {  	s5 =	sshll.u32 s26, $0x1;
	_ =	strace $0x80000049;
	[dreg:$0x1] =	wrdreg $0xFFFFFFFF  }
0xa7: {  	s28 =	simm.s32 $_size_execute0_lowered;
	s3 =	sadd.s32 s3, s5;
	[dreg:$0x0] =	wrdreg $0x0  }
0xa8: {  	s5 =	sshll.u32 s28, $0x1;
	[dreg:$0x2] =	wrdreg s3  }
0xa9: {  	[dreg:$0x3] =	wrdreg s5  }
0xaa: {  	[dreg:$0x4] =	wrdreg $0xC0  }
0xab: {  	_ =	task [dreg:s7], $0x5FFFF  }
0xac: {  	[dreg:$0x1] =	wrdreg $0xFFFFFFFF  }
0xad: {  	[dreg:$0x0] =	wrdreg $0x60  }
0xae: {  	[dreg:$0x2] =	wrdreg s24  }
0xaf: {  	[dreg:$0x3] =	wrdreg s2  }
0xb0: {  	[dreg:$0x4] =	wrdreg $0x9  }
0xb1: {  	_ =	task.clear_ibuf [dreg:s7], $0x5FFFF;
	_ =	strace $0x90000049  }
0xb2: {  	s29 =	simm.s32 $0x9;
	_ =	strace $0x8000004B  }
0xb3: {  	_ =	swait.ge [sflag:s29], $0x1  }
0xb4: {  	[sflag:s29] =	ssyncadd.s32 $0xFFFFFFFF  }
0xb5: {  	_ =	strace $0x9000004B  }
0xb6: {  	_ =	sfence  }
0xb7: {  	s30 =	sld [smem:$0x0];
	_ =	sdelay $0x2  }
0xb8: {  	s31 =	sshll.u32 s1, $0xD;
	s1 =	sshrl.u32 s1, $0x2  }
0xb9: {  	s3 =	sand.u32 $0x4000, s31;
	s1 =	sadd.s32 s1, s30  }
0xba: {  	s0 =	sor.u32 s3, s0;
	s1 =	sshll.u32 s1, $0x11  }
0xbb: {  	s0 =	sor.u32 s1, s0  }
0xbc: {  	s0 =	sadd.s32 $0x8F2B, s0  }
0xbd: {  	[sflag:s0] =	ssyncadd.remote.s32 $0x1  }
0xbe: {  	_ =	sfence.sel $0xFFFF  }
0xbf: {  	[dreg:$0x0] =	wrdreg $0xFFFFFFFF;
	(pc) =	sbr.abs _section_cstart, $3  }
0xc0: {  	[dreg:$0x1] =	wrdreg $0xFFFFFFFF  }
0xc1: {  	_ =	task.clear_ibuf [dreg:s7], $0x2FFFF;
	_ =	strace $0x9FFFFFFF  }
0xc2: {  	(tm) =	ssettm $0x7FFFFFFF  }
0xc3: {  	_ =	shalt  }
tec
execute0_lowered:
.L_overlay_start_1:
0x0: {  	(tag) =	ssettag $0x1  }
0x1: {  	s1 =	srdreg.scid  }
0x2: {  	s0 =	stileid.u32;
	s6 =	rddreg [dreg:$0x0]  }
0x3: {  	s4 =	rddreg [dreg:$0x1];
	s17 =	simm.s32 $0xA00;
	s18 =	simm.s32 $0x1200  }
0x4: {  	s19 =	simm.s32 $0x1A00;
	s21 =	simm.s32 $0x2200;
	s22 =	simm.s32 $0x2A00  }
0x5: {  	s23 =	simm.s32 $0x3A00;
	s1 =	sand.u32 $0x1, s1;
	s2 =	sshll.u32 s0, $0x1  }
0x6: {  	s24 =	simm.s32 $0x4200;
	s3 =	sor.u32 s1, s2;
	s2 =	simm.s32 $0x0  }
0x7: {  	s25 =	simm.s32 $0x4A00;
	s26 =	simm.s32 $0x5200;
	[smem:$0x7FF] =	sst s2  }
0x8: {  	s9 =	simm.s32 $0x200;
	_ =	strace $0x8000004A;
	[dreg:$0x7] =	wrdreg s17  }
0x9: {  	s10 =	simm.s32 $0x3200;
	s12 =	simm.s32 $0x6200;
	[dreg:$0x8] =	wrdreg s18  }
0xa: {  	s13 =	simm.s32 $0x6A00;
	s14 =	simm.s32 $0x7200;
	[dreg:$0x9] =	wrdreg s19  }
0xb: {  	s28 =	simm.s32 $0x4;
	s29 =	simm.s32 $0x5;
	[dreg:$0xa] =	wrdreg s21  }
0xc: {  	s30 =	simm.s32 $0x6;
	s31 =	simm.s32 $0x7;
	[dreg:$0xb] =	wrdreg s22  }
0xd: {  	s1 =	ssub.s32 $0x2, s1;
	s5 =	smul.u32 $0x1800, s3;
	[dreg:$0xc] =	wrdreg s23  }
0xe: {  	s7 =	smul.u32 $0xC000, s3;
	s3 =	sshll.u32 s3, $0x6;
	[dreg:$0xd] =	wrdreg s24  }
0xf: {  	s20 =	sshrl.u32 s1, $0x1;
	s8 =	sadd.s32 s6, s3;
	[dreg:$0xe] =	wrdreg s25  }
0x10: {  	s1 =	ssub.s32 s1, s20;
	[dreg:$0xf] =	wrdreg s26;
	s17 =	simm.s32 $0x8A00  }
0x11: {  	s18 =	simm.s32 $0x9200;
	s19 =	simm.s32 $0x9A00;
	s20 =	simm.s32 $0xA200  }
0x12: {  	s21 =	simm.s32 $0xAA00;
	s22 =	simm.s32 $0xB200;
	s23 =	simm.s32 $0xBA00  }
0x13: {  	s24 =	simm.s32 $0x1;
	s25 =	simm.s32 $0x2;
	s26 =	simm.s32 $0x3  }
0x14: {  	s3 =	sadd.s32 s4, s5;
	s15 =	sshrl.u32 s7, $0x3;
	[dreg:$0x3] =	wrdreg s8  }
0x15: {  	s7 =	smax.u32 s1, $0x1;
	s16 =	sadd.s32 $0x600, s3;
	s4 =	sadd.s32 s4, s15  }
0x16: {  	s8 =	simm.s32 $0x9;
	[dreg:$0x4] =	wrdreg s16;
	s5 =	sadd.s32 $0xC00, s4  }
0x17: {  	v2 =	vlaneseq.u32;
	s1 =	simm.s32 $0x8;
	s4 =	sadd.s32 $0x1200, s4;
	[dreg:$0x5] =	wrdreg s5  }
0x18: {  	vm0 =	vmmov $0xffff;
	v1 =	vshrl.u32 v2, $0x3;
	s15 =	simm.s32 $0x7A00;
	s16 =	simm.s32 $0x8200;
	[dreg:$0x6] =	wrdreg s4  }
0x19: {  	v0 =	vand.u32 $0x7, v2;
	v2 =	vor.u32 $0x8, v2;
	v1 =	vmul.u32 $0x8, v1;
	s4 =	sadd.s32 $0x800, s6;
	s5 =	sadd.s32 $0x900, s6;
	s6 =	sadd.s32 $0xA00, s6  }
.LBB2_1:
0x1a: {  	s0 =	rddreg [dreg:$0x3]  }
0x1b: {  	[tilespmem:s2], [sflag:$0x9] =	stream.linear.gather [hbm4b:s0+s2], $0x200, $0x38;
	[tilespmem:$0xC200] =	vst v63  }
0x1c: {  	_ =	swait.ge [sflag:s8], $0x200  }
0x1d: {  	[sflag:s8] =	ssyncset.done $0x0  }
0x1e: {  	[sflag:s8] =	ssyncadd.s32 $0xFFFFFE00  }
0x1f: {  	v3 =	vld [tilespmem:$0x0];
	_ =	sdelay $0x4  }
0x20: {  	v4 =	vshrl.u32 v3, $0x3  }
0x21: {  	v4 =	vmul.u32 $0x30, v4  }
0x22: {  	v3 =	vand.u32 $0x7, v3  }
0x23: {  	v3 =	vor.u32 v3, v4  }
0x24: {  	v4 =	vperm.xlane v3, v0;
	_ =	sdelay $0x1  }
0x25: {  	v4 =	vadd.s32 v1, v4;
	_ =	sdelay $0x3  }
0x26: {  	v3 =	vperm.xlane v3, v2  }
0x27: {  	[tilespmem:s9], [sflag:$0x1] =	stream.indirect_vreg.gather [hbm4b:s4+s2], $0x80, v4, vm0, $0xb8;
	[tilespmem:$0xC200] =	vst v63  }
0x28: {  	s0 =	rddreg [dreg:$0x7];
	v3 =	vadd.s32 v1, v3  }
0x29: {  	[tilespmem:s0], [sflag:$0x1] =	stream.indirect_vreg.gather [hbm4b:s5+s2], $0x80, v4, vm0, $0xb8;
	[tilespmem:$0xC200] =	vst v63  }
0x2a: {  	s11 =	rddreg [dreg:$0x8]  }
0x2b: {  	[tilespmem:s11], [sflag:$0x1] =	stream.indirect_vreg.gather [hbm4b:s6+s2], $0x80, v4, vm0, $0xb8;
	[tilespmem:$0xC200] =	vst v63  }
0x2c: {  	s0 =	rddreg [dreg:$0x9]  }
0x2d: {  	[tilespmem:s0], [sflag:$0x1] =	stream.indirect_vreg.gather [hbm4b:s4+s2], $0x80, v3, vm0, $0xb8;
	[tilespmem:$0xC200] =	vst v63  }
0x2e: {  	s11 =	rddreg [dreg:$0xa]  }
0x2f: {  	[tilespmem:s11], [sflag:$0x1] =	stream.indirect_vreg.gather [hbm4b:s5+s2], $0x80, v3, vm0, $0xb8;
	[tilespmem:$0xC200] =	vst v63  }
0x30: {  	s0 =	rddreg [dreg:$0xb]  }
0x31: {  	[tilespmem:s0], [sflag:$0x1] =	stream.indirect_vreg.gather [hbm4b:s6+s2], $0x80, v3, vm0, $0xb8;
	[tilespmem:$0xC200] =	vst v63  }
0x32: {  	v3 =	vld [tilespmem:$0x80];
	_ =	sdelay $0x4  }
0x33: {  	v61 =	vshrl.u32 v3, $0x3  }
0x34: {  	v4 =	vmul.u32 $0x30, v61  }
0x35: {  	v3 =	vand.u32 $0x7, v3  }
0x36: {  	v3 =	vor.u32 v3, v4  }
0x37: {  	v4 =	vperm.xlane v3, v0;
	_ =	sdelay $0x1  }
0x38: {  	v4 =	vadd.s32 v1, v4;
	_ =	sdelay $0x3  }
0x39: {  	v3 =	vperm.xlane v3, v2  }
0x3a: {  	[tilespmem:s10], [sflag:$0x2] =	stream.indirect_vreg.gather [hbm4b:s4+s2], $0x80, v4, vm0, $0xb8;
	[tilespmem:$0xC200] =	vst v63  }
0x3b: {  	s0 =	rddreg [dreg:$0xc];
	v3 =	vadd.s32 v1, v3  }
0x3c: {  	[tilespmem:s0], [sflag:$0x2] =	stream.indirect_vreg.gather [hbm4b:s5+s2], $0x80, v4, vm0, $0xb8;
	[tilespmem:$0xC200] =	vst v63  }
0x3d: {  	s11 =	rddreg [dreg:$0xd]  }
0x3e: {  	[tilespmem:s11], [sflag:$0x2] =	stream.indirect_vreg.gather [hbm4b:s6+s2], $0x80, v4, vm0, $0xb8;
	[tilespmem:$0xC200] =	vst v63  }
0x3f: {  	s0 =	rddreg [dreg:$0xe]  }
0x40: {  	[tilespmem:s0], [sflag:$0x2] =	stream.indirect_vreg.gather [hbm4b:s4+s2], $0x80, v3, vm0, $0xb8;
	[tilespmem:$0xC200] =	vst v63  }
0x41: {  	s11 =	rddreg [dreg:$0xf]  }
0x42: {  	[tilespmem:s11], [sflag:$0x2] =	stream.indirect_vreg.gather [hbm4b:s5+s2], $0x80, v3, vm0, $0xb8;
	[tilespmem:$0xC200] =	vst v63  }
0x43: {  	s11 =	simm.s32 $0x5A00  }
0x44: {  	[tilespmem:s11], [sflag:$0x2] =	stream.indirect_vreg.gather [hbm4b:s6+s2], $0x80, v3, vm0, $0xb8;
	[tilespmem:$0xC200] =	vst v63  }
0x45: {  	v3 =	vld [tilespmem:$0x100];
	_ =	sdelay $0x4  }
0x46: {  	v62 =	vshrl.u32 v3, $0x3  }
0x47: {  	v4 =	vmul.u32 $0x30, v62  }
0x48: {  	v3 =	vand.u32 $0x7, v3  }
0x49: {  	v3 =	vor.u32 v3, v4  }
0x4a: {  	v4 =	vperm.xlane v3, v0;
	_ =	sdelay $0x1  }
0x4b: {  	v4 =	vadd.s32 v1, v4;
	_ =	sdelay $0x3  }
0x4c: {  	v3 =	vperm.xlane v3, v2  }
0x4d: {  	[tilespmem:s12], [sflag:$0x3] =	stream.indirect_vreg.gather [hbm4b:s4+s2], $0x80, v4, vm0, $0xb8;
	[tilespmem:$0xC200] =	vst v63  }
0x4e: {  	v3 =	vadd.s32 v1, v3  }
0x4f: {  	[tilespmem:s13], [sflag:$0x3] =	stream.indirect_vreg.gather [hbm4b:s5+s2], $0x80, v4, vm0, $0xb8;
	[tilespmem:$0xC200] =	vst v63  }
0x50: {  	_ = 	snop  }
0x51: {  	[tilespmem:s14], [sflag:$0x3] =	stream.indirect_vreg.gather [hbm4b:s6+s2], $0x80, v4, vm0, $0xb8;
	[tilespmem:$0xC200] =	vst v63  }
0x52: {  	_ = 	snop  }
0x53: {  	[tilespmem:s15], [sflag:$0x3] =	stream.indirect_vreg.gather [hbm4b:s4+s2], $0x80, v3, vm0, $0xb8;
	[tilespmem:$0xC200] =	vst v63  }
0x54: {  	_ = 	snop  }
0x55: {  	[tilespmem:s16], [sflag:$0x3] =	stream.indirect_vreg.gather [hbm4b:s5+s2], $0x80, v3, vm0, $0xb8;
	[tilespmem:$0xC200] =	vst v63  }
0x56: {  	_ = 	snop  }
0x57: {  	[tilespmem:s17], [sflag:$0x3] =	stream.indirect_vreg.gather [hbm4b:s6+s2], $0x80, v3, vm0, $0xb8;
	[tilespmem:$0xC200] =	vst v63  }
0x58: {  	v3 =	vld [tilespmem:$0x180];
	_ =	sdelay $0x4  }
0x59: {  	v63 =	vshrl.u32 v3, $0x3  }
0x5a: {  	v4 =	vmul.u32 $0x30, v63  }
0x5b: {  	v3 =	vand.u32 $0x7, v3  }
0x5c: {  	v3 =	vor.u32 v3, v4  }
0x5d: {  	v4 =	vperm.xlane v3, v0;
	_ =	sdelay $0x1  }
0x5e: {  	v4 =	vadd.s32 v1, v4;
	_ =	sdelay $0x3  }
0x5f: {  	v3 =	vperm.xlane v3, v2  }
0x60: {  	[tilespmem:s18], [sflag:$0x4] =	stream.indirect_vreg.gather [hbm4b:s4+s2], $0x80, v4, vm0, $0xb8;
	[tilespmem:$0xC200] =	vst v63  }
0x61: {  	v3 =	vadd.s32 v1, v3  }
0x62: {  	[tilespmem:s19], [sflag:$0x4] =	stream.indirect_vreg.gather [hbm4b:s5+s2], $0x80, v4, vm0, $0xb8;
	[tilespmem:$0xC200] =	vst v63  }
0x63: {  	_ = 	snop  }
0x64: {  	[tilespmem:s20], [sflag:$0x4] =	stream.indirect_vreg.gather [hbm4b:s6+s2], $0x80, v4, vm0, $0xb8;
	[tilespmem:$0xC200] =	vst v63  }
0x65: {  	_ = 	snop  }
0x66: {  	[tilespmem:s21], [sflag:$0x4] =	stream.indirect_vreg.gather [hbm4b:s4+s2], $0x80, v3, vm0, $0xb8;
	[tilespmem:$0xC200] =	vst v63  }
0x67: {  	_ = 	snop  }
0x68: {  	[tilespmem:s22], [sflag:$0x4] =	stream.indirect_vreg.gather [hbm4b:s5+s2], $0x80, v3, vm0, $0xb8;
	[tilespmem:$0xC200] =	vst v63  }
0x69: {  	_ = 	snop  }
0x6a: {  	[tilespmem:s23], [sflag:$0x4] =	stream.indirect_vreg.gather [hbm4b:s6+s2], $0x80, v3, vm0, $0xb8;
	[tilespmem:$0xC200] =	vst v63  }
0x6b: {  	_ =	swait.ge [sflag:s24], $0x3000  }
0x6c: {  	[sflag:s24] =	ssyncset.done $0x0  }
0x6d: {  	[sflag:s24] =	ssyncadd.s32 $0xFFFFD000  }
0x6e: {  	[hbm4b:s3+s2] =	stream.linear.scatter [tilespmem:s9], [sflag:$0x5], $0x3000, $0x38;
	[tilespmem:$0xC200] =	vst v63  }
0x6f: {  	_ =	swait.ge [sflag:s25], $0x3000  }
0x70: {  	[sflag:s25] =	ssyncset.done $0x0  }
0x71: {  	s11 =	rddreg [dreg:$0x4];
	[sflag:s25] =	ssyncadd.s32 $0xFFFFD000  }
0x72: {  	[hbm4b:s11+s2] =	stream.linear.scatter [tilespmem:s10], [sflag:$0x6], $0x3000, $0x38;
	[tilespmem:$0xC200] =	vst v63  }
0x73: {  	_ =	swait.ge [sflag:s26], $0x3000  }
0x74: {  	[sflag:s26] =	ssyncset.done $0x0  }
0x75: {  	s11 =	rddreg [dreg:$0x5];
	[sflag:s26] =	ssyncadd.s32 $0xFFFFD000  }
0x76: {  	[hbm4b:s11+s2] =	stream.linear.scatter [tilespmem:s12], [sflag:$0x7], $0x3000, $0x38;
	[tilespmem:$0xC200] =	vst v63  }
0x77: {  	_ =	swait.ge [sflag:s28], $0x3000  }
0x78: {  	[sflag:s28] =	ssyncset.done $0x0  }
0x79: {  	s11 =	rddreg [dreg:$0x6];
	[sflag:s28] =	ssyncadd.s32 $0xFFFFD000  }
0x7a: {  	[hbm4b:s11+s2] =	stream.linear.scatter [tilespmem:s18], [sflag:$0x8], $0x3000, $0x38;
	[tilespmem:$0xC200] =	vst v63  }
0x7b: {  	_ =	swait.ge [sflag:s29], $0x3000  }
0x7c: {  	[sflag:s29] =	ssyncset.done $0x0  }
0x7d: {  	[sflag:s29] =	ssyncadd.s32 $0xFFFFD000  }
0x7e: {  	_ =	swait.ge [sflag:s30], $0x3000  }
0x7f: {  	[sflag:s30] =	ssyncset.done $0x0  }
0x80: {  	[sflag:s30] =	ssyncadd.s32 $0xFFFFD000  }
0x81: {  	p0 =	sne.s32 s7, $0x1;
	_ =	swait.ge [sflag:s31], $0x3000  }
.Ltmp0:
0x82: {  	[sflag:s31] =	ssyncset.done $0x0;
	(pc) =	sbr.rel @p0 .LBB2_1-.Ltmp0, $4  }
0x83: {  	[sflag:s31] =	ssyncadd.s32 $0xFFFFD000  }
0x84: {  	_ =	swait.ge [sflag:s1], $0x3000  }
0x85: {  	[sflag:s1] =	ssyncset.done $0x0  }
0x86: {  	s7 =	sadd.s32 $0xFFFFFFFF, s7;
	[sflag:s1] =	ssyncadd.s32 $0xFFFFD000  }
0x87: {  	_ =	sfence.sel $0x180000  }
0x88: {  	[bflag:$0x0] =	sbarrier.arrive $0xFFFF  }
0x89: {  	_ =	strace $0x9000004A  }
0x8a: {  	s0 =	stileid.u32;
	[bflag:$0x2] =	sbarrier.arrive $0xFFFF  }
0x8b: {  	p0 =	sne.s32 s0, $0x0;
	s0 =	rddreg [dreg:$0x2]  }
0x8c: {  	s0 =	sadd.s32 @!p0 $0x100000, s0  }
0x8d: {  	[sflag:s0] =	ssyncadd.tile.s32 @!p0 $0x1;
	_ =	shalt  }
.Lfunc_end2:
_tile_overlayer_lowered:
.L_overlay_start_2:
0x8e: {  	(tag) =	ssettag $0x2  }
0x8f: {  	s0 =	rddreg [dreg:$0x0];
	s2 =	stileid.u32  }
0x90: {  	s1 =	rddreg [dreg:$0x1];
	p0 =	sne.s32 s2, $0x0  }
0x91: {  	s3 =	rddreg [dreg:$0x2];
	[bflag:$0x3] =	sbarrier.arrive $0xFFFF;
	s2 =	simm.s32 @!p0 $0x1C09  }
0x92: {  	[timem:s3], [sflag:s2] =	dma.local @!p0 [hbm:s0], s1  }
0x93: {  	s0 =	simm.s32 @!p0 $0x9  }
0x94: {  	_ =	swait.ge @!p0 [sflag:s0], s1  }
0x95: {  	s1 =	ssub.s32 @!p0 $0x0, s1;
	[sflag:s0] =	ssyncset.done @!p0 $0x0  }
0x96: {  	[sflag:s0] =	ssyncadd.s32 @!p0 s1  }
0x97: {  	[bflag:$0x3] =	sbarrier.arrive $0xFFFF  }
0x98: {  	_ =	shalt  }

</sc_bundles>
